<compile_context>
chip_gen: v7x
topology: tpu7x:2x2x1
jax: 0.10.2.dev20260603
libtpu: 0.0.44.dev20260713+nightly
codegen_flags: <defaults>
</compile_context>

<pallas_src>
import functools

import jax
import jax.numpy as jnp
from jax import lax
from jax.experimental import pallas as pl
from jax.experimental.pallas import tpu as pltpu
from jax.experimental.pallas import tpu_sc as plsc

D = 64
LANES = 16
NC, NS = 2, 16
NW = NC * NS
B, SEQ = 4096, 200
N = B * SEQ
PER_W = N // NW
W = 400
NCHUNK = PER_W // W
GATHER = 128
_SPLITS = ((0, 128), (128, 128), (256, 128), (384, 16))
POS_PAD = 256


def _comb_body(wt_ref, pos_ref, out_ref):
    out_ref[...] = wt_ref[...][:, None, :] + pos_ref[...][None, :, :]


def _build_comb(word_type_table, pos_table_padded):
    out3 = pl.pallas_call(
        _comb_body,
        out_shape=jax.ShapeDtypeStruct((8, POS_PAD, D), jnp.float32),
    )(word_type_table, pos_table_padded)
    return out3.reshape(8 * POS_PAD, D)


def _sc_body(seq_hbm, wt_hbm, pos_hbm, word_hbm, comb_hbm, out_hbm,
             seq_v, wt_v, pos_v, cidx_v, rows_w, rows_c, sems):
    wid = lax.axis_index("s") * NC + lax.axis_index("c")
    base0 = wid * PER_W

    def load_and_fire(base, s):
        pltpu.sync_copy(seq_hbm.at[pl.ds(base, W)], seq_v[s])
        pltpu.sync_copy(wt_hbm.at[pl.ds(base, W)], wt_v[s])
        pltpu.sync_copy(pos_hbm.at[pl.ds(base, W)], pos_v[s])
        for t in range(W // LANES):
            sl = pl.ds(t * LANES, LANES)
            cidx_v[s][sl] = wt_v[s][sl] * POS_PAD + pos_v[s][sl]
        for off, n in _SPLITS:
            sl = pl.ds(off, n)
            pltpu.async_copy(word_hbm.at[seq_v[s].at[sl]], rows_w[s].at[sl],
                             sems[s])
            pltpu.async_copy(comb_hbm.at[cidx_v[s].at[sl]], rows_c[s].at[sl],
                             sems[s])

    def drain(s):
        pltpu.make_async_copy(word_hbm.at[pl.ds(0, W)], rows_w[s],
                              sems[s]).wait()
        pltpu.make_async_copy(comb_hbm.at[pl.ds(0, W)], rows_c[s],
                              sems[s]).wait()

    def process_and_store(base, s):
        @pl.loop(0, W)
        def _row(r):
            for c in range(D // LANES):
                sl2 = pl.ds(c * LANES, LANES)
                plsc.addupdate(rows_w[s].at[r, sl2], rows_c[s][r, sl2])

        pltpu.sync_copy(rows_w[s], out_hbm.at[pl.ds(base, W)])

    load_and_fire(base0, 0)

    @pl.loop(0, NCHUNK // 2)
    def _pair(i):
        g = i * 2
        load_and_fire(base0 + (g + 1) * W, 1)
        drain(0)
        process_and_store(base0 + g * W, 0)

        @pl.when(g + 2 < NCHUNK)
        def _():
            load_and_fire(base0 + (g + 2) * W, 0)

        drain(1)
        process_and_store(base0 + (g + 1) * W, 1)


@functools.partial(
    pl.kernel,
    out_type=jax.ShapeDtypeStruct((N, D), jnp.float32),
    mesh=plsc.VectorSubcoreMesh(core_axis_name="c", subcore_axis_name="s"),
    compiler_params=pltpu.CompilerParams(use_tc_tiling_on_sc=False),
    scratch_types=[
        pltpu.VMEM((W,), jnp.int32), pltpu.VMEM((W,), jnp.int32),
        pltpu.VMEM((W,), jnp.int32), pltpu.VMEM((W,), jnp.int32),
        pltpu.VMEM((W,), jnp.int32), pltpu.VMEM((W,), jnp.int32),
        pltpu.VMEM((W,), jnp.int32), pltpu.VMEM((W,), jnp.int32),
        pltpu.VMEM((W, D), jnp.float32), pltpu.VMEM((W, D), jnp.float32),
        pltpu.VMEM((W, D), jnp.float32), pltpu.VMEM((W, D), jnp.float32),
        pltpu.SemaphoreType.DMA, pltpu.SemaphoreType.DMA,
    ],
)
def _sc_lookup(seq_hbm, wt_hbm, pos_hbm, word_hbm, comb_hbm, out_hbm,
               seq0, seq1, wt0, wt1, pos0, pos1, cidx0, cidx1,
               roww0, roww1, rowc0, rowc1, sem0, sem1):
    _sc_body(seq_hbm, wt_hbm, pos_hbm, word_hbm, comb_hbm, out_hbm,
             (seq0, seq1), (wt0, wt1), (pos0, pos1), (cidx0, cidx1),
             (roww0, roww1), (rowc0, rowc1), (sem0, sem1))


@jax.jit
def kernel(sequence, wtype, pos_enc, src_word_table, word_type_table,
           src_pos_table):
    seq = sequence.reshape(-1).astype(jnp.int32)
    wt = wtype.reshape(-1).astype(jnp.int32)
    pos = pos_enc.reshape(-1).astype(jnp.int32)
    pos_padded = jnp.pad(src_pos_table,
                         ((0, POS_PAD - src_pos_table.shape[0]), (0, 0)))
    comb = _build_comb(word_type_table, pos_padded)
    out = _sc_lookup(seq, wt, pos, src_word_table, comb)
    return out.reshape(B, SEQ, D)

# --- scband reference (transcript-rebuilt; emitter-appended) ---
"""Pipeline reference for scband-embedder-37452114821314 (READ-ONLY COPY).

The authoritative reference and input builder live on the scoring server;
editing this copy changes nothing except your own understanding.
"""

import jax, jax.numpy as jnp
import numpy as np

NODE_TYPE_VOCAB_LEN = 8
WORD_TYPE_VOCAB_LEN = 8


def setup_inputs(seed: int = 0) -> dict:
    key = jax.random.key(seed)
    ks = jax.random.split(key, 6)
    B, L, D = 4096, 200, 64
    src_vocab_size = 100000
    max_src_len = 200
    sequence = jax.random.randint(ks[0], (B, L), 0, src_vocab_size)
    wtype = jax.random.randint(ks[1], (B, L), 0, WORD_TYPE_VOCAB_LEN)
    pos_enc = jax.random.randint(ks[2], (B, L), 0, max_src_len)
    src_word_table = jax.random.normal(ks[3], (src_vocab_size + NODE_TYPE_VOCAB_LEN, D), dtype=jnp.float32) * 0.02
    word_type_table = jax.random.normal(ks[4], (WORD_TYPE_VOCAB_LEN, D), dtype=jnp.float32) * 0.02
    src_pos_table = jax.random.normal(ks[5], (max_src_len + 1, D), dtype=jnp.float32) * 0.02
    return {
        "sequence": sequence,
        "wtype": wtype,
        "pos_enc": pos_enc,
        "src_word_table": src_word_table,
        "word_type_table": word_type_table,
        "src_pos_table": src_pos_table,
    }


def reference(sequence, wtype, pos_enc, src_word_table, word_type_table, src_pos_table):
    # encoder mode of Embedder.forward
    # word_rep = src_word_embeddings(sequence.unsqueeze(2)) -> [B, L, D]
    word_rep = jnp.take(src_word_table, sequence, axis=0)
    # use_word_type: add word-type embedding
    word_rep = word_rep + jnp.take(word_type_table, wtype, axis=0)
    # src_pos_emb: add positional embedding
    word_rep = word_rep + jnp.take(src_pos_table, pos_enc, axis=0)
    # dropout (eval mode -> identity); squeeze(0) is a no-op for B > 1
    return word_rep

if __name__ == "__main__":
    import jax
    _d = setup_inputs()
    print(jax.jit(kernel)(*tuple(_d.values())))

</pallas_src>

<mosaic_0001>
#map = affine_map<(d0, d1) -> (0)>
#map1 = affine_map<(d0, d1) -> (0, 0)>
module attributes {stable_mosaic.version = 14 : i64} {
  func.func @_sc_lookup(%arg0: i32, %arg1: i32, %arg2: memref<819200xi32, #tpu.memory_space<hbm>>, %arg3: memref<819200xi32, #tpu.memory_space<hbm>>, %arg4: memref<819200xi32, #tpu.memory_space<hbm>>, %arg5: memref<100008x64xf32, #tpu.memory_space<hbm>>, %arg6: memref<2048x64xf32, #tpu.memory_space<hbm>>, %arg7: memref<819200x64xf32, #tpu.memory_space<hbm>>, %arg8: memref<400xi32, #tpu.memory_space<vmem>>, %arg9: memref<400xi32, #tpu.memory_space<vmem>>, %arg10: memref<400xi32, #tpu.memory_space<vmem>>, %arg11: memref<400xi32, #tpu.memory_space<vmem>>, %arg12: memref<400xi32, #tpu.memory_space<vmem>>, %arg13: memref<400xi32, #tpu.memory_space<vmem>>, %arg14: memref<400xi32, #tpu.memory_space<vmem>>, %arg15: memref<400xi32, #tpu.memory_space<vmem>>, %arg16: memref<400x64xf32, #tpu.memory_space<vmem>>, %arg17: memref<400x64xf32, #tpu.memory_space<vmem>>, %arg18: memref<400x64xf32, #tpu.memory_space<vmem>>, %arg19: memref<400x64xf32, #tpu.memory_space<vmem>>, %arg20: memref<!tpu.dma_semaphore, #tpu.memory_space<semaphore_mem>>, %arg21: memref<!tpu.dma_semaphore, #tpu.memory_space<semaphore_mem>>) attributes {dimension_semantics = [#tpu.dimension_semantics<core_parallel>, #tpu.dimension_semantics<subcore_parallel>], iteration_bounds = array<i64: 2, 16>, scalar_prefetch = 0 : i64, scratch_operands = 14 : i64, tpu.core_type = #tpu.core_type<sc_vector_subcore>, window_params = [{transform_indices = #map}, {transform_indices = #map}, {transform_indices = #map}, {transform_indices = #map1}, {transform_indices = #map1}, {transform_indices = #map1}]} {
    %mul3A = arith.constant 2 : i32
    %mul3A_0 = arith.muli %arg1, %mul3A : i32
    %add3A = arith.addi %mul3A_0, %arg0 : i32
    %mul3A_1 = arith.constant 25600 : i32
    %mul3A_2 = arith.muli %add3A, %mul3A_1 : i32
    "tpu.region"() ({
      %run_scoped3A = tpu.sem_alloc : memref<!tpu.dma_semaphore, #tpu.memory_space<semaphore_mem>>
      %dma_start3A_418 = tpu.memref_slice %arg2[%mul3A_2] : memref<819200xi32, #tpu.memory_space<hbm>> -> memref<400xi32, #tpu.memory_space<hbm>>
      %dma_start3A_419 = tpu.memref_slice %arg2[%mul3A_2] : memref<819200xi32, #tpu.memory_space<hbm>> -> memref<400xi32, #tpu.memory_space<hbm>>
      tpu.enqueue_dma source(%dma_start3A_419 : memref<400xi32, #tpu.memory_space<hbm>>) target(%arg8 : memref<400xi32, #tpu.memory_space<vmem>>) target_semaphore(%run_scoped3A : memref<!tpu.dma_semaphore, #tpu.memory_space<semaphore_mem>>)
      %dma_wait3A = tpu.memref_slice %arg2[%mul3A_2] : memref<819200xi32, #tpu.memory_space<hbm>> -> memref<400xi32, #tpu.memory_space<hbm>>
      %dma_wait3A_420 = tpu.memref_slice %arg2[%mul3A_2] : memref<819200xi32, #tpu.memory_space<hbm>> -> memref<400xi32, #tpu.memory_space<hbm>>
      tpu.wait_dma2 semaphore(%run_scoped3A : memref<!tpu.dma_semaphore, #tpu.memory_space<semaphore_mem>>) src(%dma_wait3A_420 : memref<400xi32, #tpu.memory_space<hbm>>) dst(%arg8 : memref<400xi32, #tpu.memory_space<vmem>>)
      tpu.yield
    }) : () -> ()
    "tpu.region"() ({
      %run_scoped3A = tpu.sem_alloc : memref<!tpu.dma_semaphore, #tpu.memory_space<semaphore_mem>>
      %dma_start3A_418 = tpu.memref_slice %arg3[%mul3A_2] : memref<819200xi32, #tpu.memory_space<hbm>> -> memref<400xi32, #tpu.memory_space<hbm>>
      %dma_start3A_419 = tpu.memref_slice %arg3[%mul3A_2] : memref<819200xi32, #tpu.memory_space<hbm>> -> memref<400xi32, #tpu.memory_space<hbm>>
      tpu.enqueue_dma source(%dma_start3A_419 : memref<400xi32, #tpu.memory_space<hbm>>) target(%arg10 : memref<400xi32, #tpu.memory_space<vmem>>) target_semaphore(%run_scoped3A : memref<!tpu.dma_semaphore, #tpu.memory_space<semaphore_mem>>)
      %dma_wait3A = tpu.memref_slice %arg3[%mul3A_2] : memref<819200xi32, #tpu.memory_space<hbm>> -> memref<400xi32, #tpu.memory_space<hbm>>
      %dma_wait3A_420 = tpu.memref_slice %arg3[%mul3A_2] : memref<819200xi32, #tpu.memory_space<hbm>> -> memref<400xi32, #tpu.memory_space<hbm>>
      tpu.wait_dma2 semaphore(%run_scoped3A : memref<!tpu.dma_semaphore, #tpu.memory_space<semaphore_mem>>) src(%dma_wait3A_420 : memref<400xi32, #tpu.memory_space<hbm>>) dst(%arg10 : memref<400xi32, #tpu.memory_space<vmem>>)
      tpu.yield
    }) : () -> ()
    "tpu.region"() ({
      %run_scoped3A = tpu.sem_alloc : memref<!tpu.dma_semaphore, #tpu.memory_space<semaphore_mem>>
      %dma_start3A_418 = tpu.memref_slice %arg4[%mul3A_2] : memref<819200xi32, #tpu.memory_space<hbm>> -> memref<400xi32, #tpu.memory_space<hbm>>
      %dma_start3A_419 = tpu.memref_slice %arg4[%mul3A_2] : memref<819200xi32, #tpu.memory_space<hbm>> -> memref<400xi32, #tpu.memory_space<hbm>>
      tpu.enqueue_dma source(%dma_start3A_419 : memref<400xi32, #tpu.memory_space<hbm>>) target(%arg12 : memref<400xi32, #tpu.memory_space<vmem>>) target_semaphore(%run_scoped3A : memref<!tpu.dma_semaphore, #tpu.memory_space<semaphore_mem>>)
      %dma_wait3A = tpu.memref_slice %arg4[%mul3A_2] : memref<819200xi32, #tpu.memory_space<hbm>> -> memref<400xi32, #tpu.memory_space<hbm>>
      %dma_wait3A_420 = tpu.memref_slice %arg4[%mul3A_2] : memref<819200xi32, #tpu.memory_space<hbm>> -> memref<400xi32, #tpu.memory_space<hbm>>
      tpu.wait_dma2 semaphore(%run_scoped3A : memref<!tpu.dma_semaphore, #tpu.memory_space<semaphore_mem>>) src(%dma_wait3A_420 : memref<400xi32, #tpu.memory_space<hbm>>) dst(%arg12 : memref<400xi32, #tpu.memory_space<vmem>>)
      tpu.yield
    }) : () -> ()
    %get3A = arith.constant 0 : index
    %get3A_3 = tpu.vector_load %arg10[%get3A] {strides = array<i32>} : memref<400xi32, #tpu.memory_space<vmem>>, vector<16xi32>,
    %get3A_4 = vector.shape_cast %get3A_3 : vector<16xi32> to vector<16xi32>
    %mul3A_5 = arith.constant 256 : i32
    %mul3A_6 = vector.broadcast %mul3A_5 : i32 to vector<16xi32>
    %mul3A_7 = arith.muli %get3A_4, %mul3A_6 : vector<16xi32>
    %get3A_8 = arith.constant 0 : index
    %get3A_9 = tpu.vector_load %arg12[%get3A_8] {strides = array<i32>} : memref<400xi32, #tpu.memory_space<vmem>>, vector<16xi32>,
    %get3A_10 = vector.shape_cast %get3A_9 : vector<16xi32> to vector<16xi32>
    %add3A_11 = arith.addi %mul3A_7, %get3A_10 : vector<16xi32>
    %swap3A = arith.constant 0 : index
    %swap3A_12 = tpu.vector_load %arg14[%swap3A] {strides = array<i32>} : memref<400xi32, #tpu.memory_space<vmem>>, vector<16xi32>,
    %swap3A_13 = vector.shape_cast %swap3A_12 : vector<16xi32> to vector<16xi32>
    %swap3A_14 = vector.shape_cast %add3A_11 : vector<16xi32> to vector<16xi32>
    tpu.vector_store %arg14[%swap3A], %swap3A_14 {strides = array<i32>} : memref<400xi32, #tpu.memory_space<vmem>>, vector<16xi32>,
    %get3A_15 = arith.constant 16 : index
    %get3A_16 = tpu.vector_load %arg10[%get3A_15] {strides = array<i32>} : memref<400xi32, #tpu.memory_space<vmem>>, vector<16xi32>,
    %get3A_17 = vector.shape_cast %get3A_16 : vector<16xi32> to vector<16xi32>
    %mul3A_18 = arith.constant 256 : i32
    %mul3A_19 = vector.broadcast %mul3A_18 : i32 to vector<16xi32>
    %mul3A_20 = arith.muli %get3A_17, %mul3A_19 : vector<16xi32>
    %get3A_21 = arith.constant 16 : index
    %get3A_22 = tpu.vector_load %arg12[%get3A_21] {strides = array<i32>} : memref<400xi32, #tpu.memory_space<vmem>>, vector<16xi32>,
    %get3A_23 = vector.shape_cast %get3A_22 : vector<16xi32> to vector<16xi32>
    %add3A_24 = arith.addi %mul3A_20, %get3A_23 : vector<16xi32>
    %swap3A_25 = arith.constant 16 : index
    %swap3A_26 = tpu.vector_load %arg14[%swap3A_25] {strides = array<i32>} : memref<400xi32, #tpu.memory_space<vmem>>, vector<16xi32>,
    %swap3A_27 = vector.shape_cast %swap3A_26 : vector<16xi32> to vector<16xi32>
    %swap3A_28 = vector.shape_cast %add3A_24 : vector<16xi32> to vector<16xi32>
    tpu.vector_store %arg14[%swap3A_25], %swap3A_28 {strides = array<i32>} : memref<400xi32, #tpu.memory_space<vmem>>, vector<16xi32>,
    %get3A_29 = arith.constant 32 : index
    %get3A_30 = tpu.vector_load %arg10[%get3A_29] {strides = array<i32>} : memref<400xi32, #tpu.memory_space<vmem>>, vector<16xi32>,
    %get3A_31 = vector.shape_cast %get3A_30 : vector<16xi32> to vector<16xi32>
    %mul3A_32 = arith.constant 256 : i32
    %mul3A_33 = vector.broadcast %mul3A_32 : i32 to vector<16xi32>
    %mul3A_34 = arith.muli %get3A_31, %mul3A_33 : vector<16xi32>
    %get3A_35 = arith.constant 32 : index
    %get3A_36 = tpu.vector_load %arg12[%get3A_35] {strides = array<i32>} : memref<400xi32, #tpu.memory_space<vmem>>, vector<16xi32>,
    %get3A_37 = vector.shape_cast %get3A_36 : vector<16xi32> to vector<16xi32>
    %add3A_38 = arith.addi %mul3A_34, %get3A_37 : vector<16xi32>
    %swap3A_39 = arith.constant 32 : index
    %swap3A_40 = tpu.vector_load %arg14[%swap3A_39] {strides = array<i32>} : memref<400xi32, #tpu.memory_space<vmem>>, vector<16xi32>,
    %swap3A_41 = vector.shape_cast %swap3A_40 : vector<16xi32> to vector<16xi32>
    %swap3A_42 = vector.shape_cast %add3A_38 : vector<16xi32> to vector<16xi32>
    tpu.vector_store %arg14[%swap3A_39], %swap3A_42 {strides = array<i32>} : memref<400xi32, #tpu.memory_space<vmem>>, vector<16xi32>,
    %get3A_43 = arith.constant 48 : index
    %get3A_44 = tpu.vector_load %arg10[%get3A_43] {strides = array<i32>} : memref<400xi32, #tpu.memory_space<vmem>>, vector<16xi32>,
    %get3A_45 = vector.shape_cast %get3A_44 : vector<16xi32> to vector<16xi32>
    %mul3A_46 = arith.constant 256 : i32
    %mul3A_47 = vector.broadcast %mul3A_46 : i32 to vector<16xi32>
    %mul3A_48 = arith.muli %get3A_45, %mul3A_47 : vector<16xi32>
    %get3A_49 = arith.constant 48 : index
    %get3A_50 = tpu.vector_load %arg12[%get3A_49] {strides = array<i32>} : memref<400xi32, #tpu.memory_space<vmem>>, vector<16xi32>,
    %get3A_51 = vector.shape_cast %get3A_50 : vector<16xi32> to vector<16xi32>
    %add3A_52 = arith.addi %mul3A_48, %get3A_51 : vector<16xi32>
    %swap3A_53 = arith.constant 48 : index
    %swap3A_54 = tpu.vector_load %arg14[%swap3A_53] {strides = array<i32>} : memref<400xi32, #tpu.memory_space<vmem>>, vector<16xi32>,
    %swap3A_55 = vector.shape_cast %swap3A_54 : vector<16xi32> to vector<16xi32>
    %swap3A_56 = vector.shape_cast %add3A_52 : vector<16xi32> to vector<16xi32>
    tpu.vector_store %arg14[%swap3A_53], %swap3A_56 {strides = array<i32>} : memref<400xi32, #tpu.memory_space<vmem>>, vector<16xi32>,
    %get3A_57 = arith.constant 64 : index
    %get3A_58 = tpu.vector_load %arg10[%get3A_57] {strides = array<i32>} : memref<400xi32, #tpu.memory_space<vmem>>, vector<16xi32>,
    %get3A_59 = vector.shape_cast %get3A_58 : vector<16xi32> to vector<16xi32>
    %mul3A_60 = arith.constant 256 : i32
    %mul3A_61 = vector.broadcast %mul3A_60 : i32 to vector<16xi32>
    %mul3A_62 = arith.muli %get3A_59, %mul3A_61 : vector<16xi32>
    %get3A_63 = arith.constant 64 : index
    %get3A_64 = tpu.vector_load %arg12[%get3A_63] {strides = array<i32>} : memref<400xi32, #tpu.memory_space<vmem>>, vector<16xi32>,
    %get3A_65 = vector.shape_cast %get3A_64 : vector<16xi32> to vector<16xi32>
    %add3A_66 = arith.addi %mul3A_62, %get3A_65 : vector<16xi32>
    %swap3A_67 = arith.constant 64 : index
    %swap3A_68 = tpu.vector_load %arg14[%swap3A_67] {strides = array<i32>} : memref<400xi32, #tpu.memory_space<vmem>>, vector<16xi32>,
    %swap3A_69 = vector.shape_cast %swap3A_68 : vector<16xi32> to vector<16xi32>
    %swap3A_70 = vector.shape_cast %add3A_66 : vector<16xi32> to vector<16xi32>
    tpu.vector_store %arg14[%swap3A_67], %swap3A_70 {strides = array<i32>} : memref<400xi32, #tpu.memory_space<vmem>>, vector<16xi32>,
    %get3A_71 = arith.constant 80 : index
    %get3A_72 = tpu.vector_load %arg10[%get3A_71] {strides = array<i32>} : memref<400xi32, #tpu.memory_space<vmem>>, vector<16xi32>,
    %get3A_73 = vector.shape_cast %get3A_72 : vector<16xi32> to vector<16xi32>
    %mul3A_74 = arith.constant 256 : i32
    %mul3A_75 = vector.broadcast %mul3A_74 : i32 to vector<16xi32>
    %mul3A_76 = arith.muli %get3A_73, %mul3A_75 : vector<16xi32>
    %get3A_77 = arith.constant 80 : index
    %get3A_78 = tpu.vector_load %arg12[%get3A_77] {strides = array<i32>} : memref<400xi32, #tpu.memory_space<vmem>>, vector<16xi32>,
    %get3A_79 = vector.shape_cast %get3A_78 : vector<16xi32> to vector<16xi32>
    %add3A_80 = arith.addi %mul3A_76, %get3A_79 : vector<16xi32>
    %swap3A_81 = arith.constant 80 : index
    %swap3A_82 = tpu.vector_load %arg14[%swap3A_81] {strides = array<i32>} : memref<400xi32, #tpu.memory_space<vmem>>, vector<16xi32>,
    %swap3A_83 = vector.shape_cast %swap3A_82 : vector<16xi32> to vector<16xi32>
    %swap3A_84 = vector.shape_cast %add3A_80 : vector<16xi32> to vector<16xi32>
    tpu.vector_store %arg14[%swap3A_81], %swap3A_84 {strides = array<i32>} : memref<400xi32, #tpu.memory_space<vmem>>, vector<16xi32>,
    %get3A_85 = arith.constant 96 : index
    %get3A_86 = tpu.vector_load %arg10[%get3A_85] {strides = array<i32>} : memref<400xi32, #tpu.memory_space<vmem>>, vector<16xi32>,
    %get3A_87 = vector.shape_cast %get3A_86 : vector<16xi32> to vector<16xi32>
    %mul3A_88 = arith.constant 256 : i32
    %mul3A_89 = vector.broadcast %mul3A_88 : i32 to vector<16xi32>
    %mul3A_90 = arith.muli %get3A_87, %mul3A_89 : vector<16xi32>
    %get3A_91 = arith.constant 96 : index
    %get3A_92 = tpu.vector_load %arg12[%get3A_91] {strides = array<i32>} : memref<400xi32, #tpu.memory_space<vmem>>, vector<16xi32>,
    %get3A_93 = vector.shape_cast %get3A_92 : vector<16xi32> to vector<16xi32>
    %add3A_94 = arith.addi %mul3A_90, %get3A_93 : vector<16xi32>
    %swap3A_95 = arith.constant 96 : index
    %swap3A_96 = tpu.vector_load %arg14[%swap3A_95] {strides = array<i32>} : memref<400xi32, #tpu.memory_space<vmem>>, vector<16xi32>,
    %swap3A_97 = vector.shape_cast %swap3A_96 : vector<16xi32> to vector<16xi32>
    %swap3A_98 = vector.shape_cast %add3A_94 : vector<16xi32> to vector<16xi32>
    tpu.vector_store %arg14[%swap3A_95], %swap3A_98 {strides = array<i32>} : memref<400xi32, #tpu.memory_space<vmem>>, vector<16xi32>,
    %get3A_99 = arith.constant 112 : index
    %get3A_100 = tpu.vector_load %arg10[%get3A_99] {strides = array<i32>} : memref<400xi32, #tpu.memory_space<vmem>>, vector<16xi32>,
    %get3A_101 = vector.shape_cast %get3A_100 : vector<16xi32> to vector<16xi32>
    %mul3A_102 = arith.constant 256 : i32
    %mul3A_103 = vector.broadcast %mul3A_102 : i32 to vector<16xi32>
    %mul3A_104 = arith.muli %get3A_101, %mul3A_103 : vector<16xi32>
    %get3A_105 = arith.constant 112 : index
    %get3A_106 = tpu.vector_load %arg12[%get3A_105] {strides = array<i32>} : memref<400xi32, #tpu.memory_space<vmem>>, vector<16xi32>,
    %get3A_107 = vector.shape_cast %get3A_106 : vector<16xi32> to vector<16xi32>
    %add3A_108 = arith.addi %mul3A_104, %get3A_107 : vector<16xi32>
    %swap3A_109 = arith.constant 112 : index
    %swap3A_110 = tpu.vector_load %arg14[%swap3A_109] {strides = array<i32>} : memref<400xi32, #tpu.memory_space<vmem>>, vector<16xi32>,
    %swap3A_111 = vector.shape_cast %swap3A_110 : vector<16xi32> to vector<16xi32>
    %swap3A_112 = vector.shape_cast %add3A_108 : vector<16xi32> to vector<16xi32>
    tpu.vector_store %arg14[%swap3A_109], %swap3A_112 {strides = array<i32>} : memref<400xi32, #tpu.memory_space<vmem>>, vector<16xi32>,
    %get3A_113 = arith.constant 128 : index
    %get3A_114 = tpu.vector_load %arg10[%get3A_113] {strides = array<i32>} : memref<400xi32, #tpu.memory_space<vmem>>, vector<16xi32>,
    %get3A_115 = vector.shape_cast %get3A_114 : vector<16xi32> to vector<16xi32>
    %mul3A_116 = arith.constant 256 : i32
    %mul3A_117 = vector.broadcast %mul3A_116 : i32 to vector<16xi32>
    %mul3A_118 = arith.muli %get3A_115, %mul3A_117 : vector<16xi32>
    %get3A_119 = arith.constant 128 : index
    %get3A_120 = tpu.vector_load %arg12[%get3A_119] {strides = array<i32>} : memref<400xi32, #tpu.memory_space<vmem>>, vector<16xi32>,
    %get3A_121 = vector.shape_cast %get3A_120 : vector<16xi32> to vector<16xi32>
    %add3A_122 = arith.addi %mul3A_118, %get3A_121 : vector<16xi32>
    %swap3A_123 = arith.constant 128 : index
    %swap3A_124 = tpu.vector_load %arg14[%swap3A_123] {strides = array<i32>} : memref<400xi32, #tpu.memory_space<vmem>>, vector<16xi32>,
    %swap3A_125 = vector.shape_cast %swap3A_124 : vector<16xi32> to vector<16xi32>
    %swap3A_126 = vector.shape_cast %add3A_122 : vector<16xi32> to vector<16xi32>
    tpu.vector_store %arg14[%swap3A_123], %swap3A_126 {strides = array<i32>} : memref<400xi32, #tpu.memory_space<vmem>>, vector<16xi32>,
    %get3A_127 = arith.constant 144 : index
    %get3A_128 = tpu.vector_load %arg10[%get3A_127] {strides = array<i32>} : memref<400xi32, #tpu.memory_space<vmem>>, vector<16xi32>,
    %get3A_129 = vector.shape_cast %get3A_128 : vector<16xi32> to vector<16xi32>
    %mul3A_130 = arith.constant 256 : i32
    %mul3A_131 = vector.broadcast %mul3A_130 : i32 to vector<16xi32>
    %mul3A_132 = arith.muli %get3A_129, %mul3A_131 : vector<16xi32>
    %get3A_133 = arith.constant 144 : index
    %get3A_134 = tpu.vector_load %arg12[%get3A_133] {strides = array<i32>} : memref<400xi32, #tpu.memory_space<vmem>>, vector<16xi32>,
    %get3A_135 = vector.shape_cast %get3A_134 : vector<16xi32> to vector<16xi32>
    %add3A_136 = arith.addi %mul3A_132, %get3A_135 : vector<16xi32>
    %swap3A_137 = arith.constant 144 : index
    %swap3A_138 = tpu.vector_load %arg14[%swap3A_137] {strides = array<i32>} : memref<400xi32, #tpu.memory_space<vmem>>, vector<16xi32>,
    %swap3A_139 = vector.shape_cast %swap3A_138 : vector<16xi32> to vector<16xi32>
    %swap3A_140 = vector.shape_cast %add3A_136 : vector<16xi32> to vector<16xi32>
    tpu.vector_store %arg14[%swap3A_137], %swap3A_140 {strides = array<i32>} : memref<400xi32, #tpu.memory_space<vmem>>, vector<16xi32>,
    %get3A_141 = arith.constant 160 : index
    %get3A_142 = tpu.vector_load %arg10[%get3A_141] {strides = array<i32>} : memref<400xi32, #tpu.memory_space<vmem>>, vector<16xi32>,
    %get3A_143 = vector.shape_cast %get3A_142 : vector<16xi32> to vector<16xi32>
    %mul3A_144 = arith.constant 256 : i32
    %mul3A_145 = vector.broadcast %mul3A_144 : i32 to vector<16xi32>
    %mul3A_146 = arith.muli %get3A_143, %mul3A_145 : vector<16xi32>
    %get3A_147 = arith.constant 160 : index
    %get3A_148 = tpu.vector_load %arg12[%get3A_147] {strides = array<i32>} : memref<400xi32, #tpu.memory_space<vmem>>, vector<16xi32>,
    %get3A_149 = vector.shape_cast %get3A_148 : vector<16xi32> to vector<16xi32>
    %add3A_150 = arith.addi %mul3A_146, %get3A_149 : vector<16xi32>
    %swap3A_151 = arith.constant 160 : index
    %swap3A_152 = tpu.vector_load %arg14[%swap3A_151] {strides = array<i32>} : memref<400xi32, #tpu.memory_space<vmem>>, vector<16xi32>,
    %swap3A_153 = vector.shape_cast %swap3A_152 : vector<16xi32> to vector<16xi32>
    %swap3A_154 = vector.shape_cast %add3A_150 : vector<16xi32> to vector<16xi32>
    tpu.vector_store %arg14[%swap3A_151], %swap3A_154 {strides = array<i32>} : memref<400xi32, #tpu.memory_space<vmem>>, vector<16xi32>,
    %get3A_155 = arith.constant 176 : index
    %get3A_156 = tpu.vector_load %arg10[%get3A_155] {strides = array<i32>} : memref<400xi32, #tpu.memory_space<vmem>>, vector<16xi32>,
    %get3A_157 = vector.shape_cast %get3A_156 : vector<16xi32> to vector<16xi32>
    %mul3A_158 = arith.constant 256 : i32
    %mul3A_159 = vector.broadcast %mul3A_158 : i32 to vector<16xi32>
    %mul3A_160 = arith.muli %get3A_157, %mul3A_159 : vector<16xi32>
    %get3A_161 = arith.constant 176 : index
    %get3A_162 = tpu.vector_load %arg12[%get3A_161] {strides = array<i32>} : memref<400xi32, #tpu.memory_space<vmem>>, vector<16xi32>,
    %get3A_163 = vector.shape_cast %get3A_162 : vector<16xi32> to vector<16xi32>
    %add3A_164 = arith.addi %mul3A_160, %get3A_163 : vector<16xi32>
    %swap3A_165 = arith.constant 176 : index
    %swap3A_166 = tpu.vector_load %arg14[%swap3A_165] {strides = array<i32>} : memref<400xi32, #tpu.memory_space<vmem>>, vector<16xi32>,
    %swap3A_167 = vector.shape_cast %swap3A_166 : vector<16xi32> to vector<16xi32>
    %swap3A_168 = vector.shape_cast %add3A_164 : vector<16xi32> to vector<16xi32>
    tpu.vector_store %arg14[%swap3A_165], %swap3A_168 {strides = array<i32>} : memref<400xi32, #tpu.memory_space<vmem>>, vector<16xi32>,
    %get3A_169 = arith.constant 192 : index
    %get3A_170 = tpu.vector_load %arg10[%get3A_169] {strides = array<i32>} : memref<400xi32, #tpu.memory_space<vmem>>, vector<16xi32>,
    %get3A_171 = vector.shape_cast %get3A_170 : vector<16xi32> to vector<16xi32>
    %mul3A_172 = arith.constant 256 : i32
    %mul3A_173 = vector.broadcast %mul3A_172 : i32 to vector<16xi32>
    %mul3A_174 = arith.muli %get3A_171, %mul3A_173 : vector<16xi32>
    %get3A_175 = arith.constant 192 : index
    %get3A_176 = tpu.vector_load %arg12[%get3A_175] {strides = array<i32>} : memref<400xi32, #tpu.memory_space<vmem>>, vector<16xi32>,
    %get3A_177 = vector.shape_cast %get3A_176 : vector<16xi32> to vector<16xi32>
    %add3A_178 = arith.addi %mul3A_174, %get3A_177 : vector<16xi32>
    %swap3A_179 = arith.constant 192 : index
    %swap3A_180 = tpu.vector_load %arg14[%swap3A_179] {strides = array<i32>} : memref<400xi32, #tpu.memory_space<vmem>>, vector<16xi32>,
    %swap3A_181 = vector.shape_cast %swap3A_180 : vector<16xi32> to vector<16xi32>
    %swap3A_182 = vector.shape_cast %add3A_178 : vector<16xi32> to vector<16xi32>
    tpu.vector_store %arg14[%swap3A_179], %swap3A_182 {strides = array<i32>} : memref<400xi32, #tpu.memory_space<vmem>>, vector<16xi32>,
    %get3A_183 = arith.constant 208 : index
    %get3A_184 = tpu.vector_load %arg10[%get3A_183] {strides = array<i32>} : memref<400xi32, #tpu.memory_space<vmem>>, vector<16xi32>,
    %get3A_185 = vector.shape_cast %get3A_184 : vector<16xi32> to vector<16xi32>
    %mul3A_186 = arith.constant 256 : i32
    %mul3A_187 = vector.broadcast %mul3A_186 : i32 to vector<16xi32>
    %mul3A_188 = arith.muli %get3A_185, %mul3A_187 : vector<16xi32>
    %get3A_189 = arith.constant 208 : index
    %get3A_190 = tpu.vector_load %arg12[%get3A_189] {strides = array<i32>} : memref<400xi32, #tpu.memory_space<vmem>>, vector<16xi32>,
    %get3A_191 = vector.shape_cast %get3A_190 : vector<16xi32> to vector<16xi32>
    %add3A_192 = arith.addi %mul3A_188, %get3A_191 : vector<16xi32>
    %swap3A_193 = arith.constant 208 : index
    %swap3A_194 = tpu.vector_load %arg14[%swap3A_193] {strides = array<i32>} : memref<400xi32, #tpu.memory_space<vmem>>, vector<16xi32>,
    %swap3A_195 = vector.shape_cast %swap3A_194 : vector<16xi32> to vector<16xi32>
    %swap3A_196 = vector.shape_cast %add3A_192 : vector<16xi32> to vector<16xi32>
    tpu.vector_store %arg14[%swap3A_193], %swap3A_196 {strides = array<i32>} : memref<400xi32, #tpu.memory_space<vmem>>, vector<16xi32>,
    %get3A_197 = arith.constant 224 : index
    %get3A_198 = tpu.vector_load %arg10[%get3A_197] {strides = array<i32>} : memref<400xi32, #tpu.memory_space<vmem>>, vector<16xi32>,
    %get3A_199 = vector.shape_cast %get3A_198 : vector<16xi32> to vector<16xi32>
    %mul3A_200 = arith.constant 256 : i32
    %mul3A_201 = vector.broadcast %mul3A_200 : i32 to vector<16xi32>
    %mul3A_202 = arith.muli %get3A_199, %mul3A_201 : vector<16xi32>
    %get3A_203 = arith.constant 224 : index
    %get3A_204 = tpu.vector_load %arg12[%get3A_203] {strides = array<i32>} : memref<400xi32, #tpu.memory_space<vmem>>, vector<16xi32>,
    %get3A_205 = vector.shape_cast %get3A_204 : vector<16xi32> to vector<16xi32>
    %add3A_206 = arith.addi %mul3A_202, %get3A_205 : vector<16xi32>
    %swap3A_207 = arith.constant 224 : index
    %swap3A_208 = tpu.vector_load %arg14[%swap3A_207] {strides = array<i32>} : memref<400xi32, #tpu.memory_space<vmem>>, vector<16xi32>,
    %swap3A_209 = vector.shape_cast %swap3A_208 : vector<16xi32> to vector<16xi32>
    %swap3A_210 = vector.shape_cast %add3A_206 : vector<16xi32> to vector<16xi32>
    tpu.vector_store %arg14[%swap3A_207], %swap3A_210 {strides = array<i32>} : memref<400xi32, #tpu.memory_space<vmem>>, vector<16xi32>,
    %get3A_211 = arith.constant 240 : index
    %get3A_212 = tpu.vector_load %arg10[%get3A_211] {strides = array<i32>} : memref<400xi32, #tpu.memory_space<vmem>>, vector<16xi32>,
    %get3A_213 = vector.shape_cast %get3A_212 : vector<16xi32> to vector<16xi32>
    %mul3A_214 = arith.constant 256 : i32
    %mul3A_215 = vector.broadcast %mul3A_214 : i32 to vector<16xi32>
    %mul3A_216 = arith.muli %get3A_213, %mul3A_215 : vector<16xi32>
    %get3A_217 = arith.constant 240 : index
    %get3A_218 = tpu.vector_load %arg12[%get3A_217] {strides = array<i32>} : memref<400xi32, #tpu.memory_space<vmem>>, vector<16xi32>,
    %get3A_219 = vector.shape_cast %get3A_218 : vector<16xi32> to vector<16xi32>
    %add3A_220 = arith.addi %mul3A_216, %get3A_219 : vector<16xi32>
    %swap3A_221 = arith.constant 240 : index
    %swap3A_222 = tpu.vector_load %arg14[%swap3A_221] {strides = array<i32>} : memref<400xi32, #tpu.memory_space<vmem>>, vector<16xi32>,
    %swap3A_223 = vector.shape_cast %swap3A_222 : vector<16xi32> to vector<16xi32>
    %swap3A_224 = vector.shape_cast %add3A_220 : vector<16xi32> to vector<16xi32>
    tpu.vector_store %arg14[%swap3A_221], %swap3A_224 {strides = array<i32>} : memref<400xi32, #tpu.memory_space<vmem>>, vector<16xi32>,
    %get3A_225 = arith.constant 256 : index
    %get3A_226 = tpu.vector_load %arg10[%get3A_225] {strides = array<i32>} : memref<400xi32, #tpu.memory_space<vmem>>, vector<16xi32>,
    %get3A_227 = vector.shape_cast %get3A_226 : vector<16xi32> to vector<16xi32>
    %mul3A_228 = arith.constant 256 : i32
    %mul3A_229 = vector.broadcast %mul3A_228 : i32 to vector<16xi32>
    %mul3A_230 = arith.muli %get3A_227, %mul3A_229 : vector<16xi32>
    %get3A_231 = arith.constant 256 : index
    %get3A_232 = tpu.vector_load %arg12[%get3A_231] {strides = array<i32>} : memref<400xi32, #tpu.memory_space<vmem>>, vector<16xi32>,
    %get3A_233 = vector.shape_cast %get3A_232 : vector<16xi32> to vector<16xi32>
    %add3A_234 = arith.addi %mul3A_230, %get3A_233 : vector<16xi32>
    %swap3A_235 = arith.constant 256 : index
    %swap3A_236 = tpu.vector_load %arg14[%swap3A_235] {strides = array<i32>} : memref<400xi32, #tpu.memory_space<vmem>>, vector<16xi32>,
    %swap3A_237 = vector.shape_cast %swap3A_236 : vector<16xi32> to vector<16xi32>
    %swap3A_238 = vector.shape_cast %add3A_234 : vector<16xi32> to vector<16xi32>
    tpu.vector_store %arg14[%swap3A_235], %swap3A_238 {strides = array<i32>} : memref<400xi32, #tpu.memory_space<vmem>>, vector<16xi32>,
    %get3A_239 = arith.constant 272 : index
    %get3A_240 = tpu.vector_load %arg10[%get3A_239] {strides = array<i32>} : memref<400xi32, #tpu.memory_space<vmem>>, vector<16xi32>,
    %get3A_241 = vector.shape_cast %get3A_240 : vector<16xi32> to vector<16xi32>
    %mul3A_242 = arith.constant 256 : i32
    %mul3A_243 = vector.broadcast %mul3A_242 : i32 to vector<16xi32>
    %mul3A_244 = arith.muli %get3A_241, %mul3A_243 : vector<16xi32>
    %get3A_245 = arith.constant 272 : index
    %get3A_246 = tpu.vector_load %arg12[%get3A_245] {strides = array<i32>} : memref<400xi32, #tpu.memory_space<vmem>>, vector<16xi32>,
    %get3A_247 = vector.shape_cast %get3A_246 : vector<16xi32> to vector<16xi32>
    %add3A_248 = arith.addi %mul3A_244, %get3A_247 : vector<16xi32>
    %swap3A_249 = arith.constant 272 : index
    %swap3A_250 = tpu.vector_load %arg14[%swap3A_249] {strides = array<i32>} : memref<400xi32, #tpu.memory_space<vmem>>, vector<16xi32>,
    %swap3A_251 = vector.shape_cast %swap3A_250 : vector<16xi32> to vector<16xi32>
    %swap3A_252 = vector.shape_cast %add3A_248 : vector<16xi32> to vector<16xi32>
    tpu.vector_store %arg14[%swap3A_249], %swap3A_252 {strides = array<i32>} : memref<400xi32, #tpu.memory_space<vmem>>, vector<16xi32>,
    %get3A_253 = arith.constant 288 : index
    %get3A_254 = tpu.vector_load %arg10[%get3A_253] {strides = array<i32>} : memref<400xi32, #tpu.memory_space<vmem>>, vector<16xi32>,
    %get3A_255 = vector.shape_cast %get3A_254 : vector<16xi32> to vector<16xi32>
    %mul3A_256 = arith.constant 256 : i32
    %mul3A_257 = vector.broadcast %mul3A_256 : i32 to vector<16xi32>
    %mul3A_258 = arith.muli %get3A_255, %mul3A_257 : vector<16xi32>
    %get3A_259 = arith.constant 288 : index
    %get3A_260 = tpu.vector_load %arg12[%get3A_259] {strides = array<i32>} : memref<400xi32, #tpu.memory_space<vmem>>, vector<16xi32>,
    %get3A_261 = vector.shape_cast %get3A_260 : vector<16xi32> to vector<16xi32>
    %add3A_262 = arith.addi %mul3A_258, %get3A_261 : vector<16xi32>
    %swap3A_263 = arith.constant 288 : index
    %swap3A_264 = tpu.vector_load %arg14[%swap3A_263] {strides = array<i32>} : memref<400xi32, #tpu.memory_space<vmem>>, vector<16xi32>,
    %swap3A_265 = vector.shape_cast %swap3A_264 : vector<16xi32> to vector<16xi32>
    %swap3A_266 = vector.shape_cast %add3A_262 : vector<16xi32> to vector<16xi32>
    tpu.vector_store %arg14[%swap3A_263], %swap3A_266 {strides = array<i32>} : memref<400xi32, #tpu.memory_space<vmem>>, vector<16xi32>,
    %get3A_267 = arith.constant 304 : index
    %get3A_268 = tpu.vector_load %arg10[%get3A_267] {strides = array<i32>} : memref<400xi32, #tpu.memory_space<vmem>>, vector<16xi32>,
    %get3A_269 = vector.shape_cast %get3A_268 : vector<16xi32> to vector<16xi32>
    %mul3A_270 = arith.constant 256 : i32
    %mul3A_271 = vector.broadcast %mul3A_270 : i32 to vector<16xi32>
    %mul3A_272 = arith.muli %get3A_269, %mul3A_271 : vector<16xi32>
    %get3A_273 = arith.constant 304 : index
    %get3A_274 = tpu.vector_load %arg12[%get3A_273] {strides = array<i32>} : memref<400xi32, #tpu.memory_space<vmem>>, vector<16xi32>,
    %get3A_275 = vector.shape_cast %get3A_274 : vector<16xi32> to vector<16xi32>
    %add3A_276 = arith.addi %mul3A_272, %get3A_275 : vector<16xi32>
    %swap3A_277 = arith.constant 304 : index
    %swap3A_278 = tpu.vector_load %arg14[%swap3A_277] {strides = array<i32>} : memref<400xi32, #tpu.memory_space<vmem>>, vector<16xi32>,
    %swap3A_279 = vector.shape_cast %swap3A_278 : vector<16xi32> to vector<16xi32>
    %swap3A_280 = vector.shape_cast %add3A_276 : vector<16xi32> to vector<16xi32>
    tpu.vector_store %arg14[%swap3A_277], %swap3A_280 {strides = array<i32>} : memref<400xi32, #tpu.memory_space<vmem>>, vector<16xi32>,
    %get3A_281 = arith.constant 320 : index
    %get3A_282 = tpu.vector_load %arg10[%get3A_281] {strides = array<i32>} : memref<400xi32, #tpu.memory_space<vmem>>, vector<16xi32>,
    %get3A_283 = vector.shape_cast %get3A_282 : vector<16xi32> to vector<16xi32>
    %mul3A_284 = arith.constant 256 : i32
    %mul3A_285 = vector.broadcast %mul3A_284 : i32 to vector<16xi32>
    %mul3A_286 = arith.muli %get3A_283, %mul3A_285 : vector<16xi32>
    %get3A_287 = arith.constant 320 : index
    %get3A_288 = tpu.vector_load %arg12[%get3A_287] {strides = array<i32>} : memref<400xi32, #tpu.memory_space<vmem>>, vector<16xi32>,
    %get3A_289 = vector.shape_cast %get3A_288 : vector<16xi32> to vector<16xi32>
    %add3A_290 = arith.addi %mul3A_286, %get3A_289 : vector<16xi32>
    %swap3A_291 = arith.constant 320 : index
    %swap3A_292 = tpu.vector_load %arg14[%swap3A_291] {strides = array<i32>} : memref<400xi32, #tpu.memory_space<vmem>>, vector<16xi32>,
    %swap3A_293 = vector.shape_cast %swap3A_292 : vector<16xi32> to vector<16xi32>
    %swap3A_294 = vector.shape_cast %add3A_290 : vector<16xi32> to vector<16xi32>
    tpu.vector_store %arg14[%swap3A_291], %swap3A_294 {strides = array<i32>} : memref<400xi32, #tpu.memory_space<vmem>>, vector<16xi32>,
    %get3A_295 = arith.constant 336 : index
    %get3A_296 = tpu.vector_load %arg10[%get3A_295] {strides = array<i32>} : memref<400xi32, #tpu.memory_space<vmem>>, vector<16xi32>,
    %get3A_297 = vector.shape_cast %get3A_296 : vector<16xi32> to vector<16xi32>
    %mul3A_298 = arith.constant 256 : i32
    %mul3A_299 = vector.broadcast %mul3A_298 : i32 to vector<16xi32>
    %mul3A_300 = arith.muli %get3A_297, %mul3A_299 : vector<16xi32>
    %get3A_301 = arith.constant 336 : index
    %get3A_302 = tpu.vector_load %arg12[%get3A_301] {strides = array<i32>} : memref<400xi32, #tpu.memory_space<vmem>>, vector<16xi32>,
    %get3A_303 = vector.shape_cast %get3A_302 : vector<16xi32> to vector<16xi32>
    %add3A_304 = arith.addi %mul3A_300, %get3A_303 : vector<16xi32>
    %swap3A_305 = arith.constant 336 : index
    %swap3A_306 = tpu.vector_load %arg14[%swap3A_305] {strides = array<i32>} : memref<400xi32, #tpu.memory_space<vmem>>, vector<16xi32>,
    %swap3A_307 = vector.shape_cast %swap3A_306 : vector<16xi32> to vector<16xi32>
    %swap3A_308 = vector.shape_cast %add3A_304 : vector<16xi32> to vector<16xi32>
    tpu.vector_store %arg14[%swap3A_305], %swap3A_308 {strides = array<i32>} : memref<400xi32, #tpu.memory_space<vmem>>, vector<16xi32>,
    %get3A_309 = arith.constant 352 : index
    %get3A_310 = tpu.vector_load %arg10[%get3A_309] {strides = array<i32>} : memref<400xi32, #tpu.memory_space<vmem>>, vector<16xi32>,
    %get3A_311 = vector.shape_cast %get3A_310 : vector<16xi32> to vector<16xi32>
    %mul3A_312 = arith.constant 256 : i32
    %mul3A_313 = vector.broadcast %mul3A_312 : i32 to vector<16xi32>
    %mul3A_314 = arith.muli %get3A_311, %mul3A_313 : vector<16xi32>
    %get3A_315 = arith.constant 352 : index
    %get3A_316 = tpu.vector_load %arg12[%get3A_315] {strides = array<i32>} : memref<400xi32, #tpu.memory_space<vmem>>, vector<16xi32>,
    %get3A_317 = vector.shape_cast %get3A_316 : vector<16xi32> to vector<16xi32>
    %add3A_318 = arith.addi %mul3A_314, %get3A_317 : vector<16xi32>
    %swap3A_319 = arith.constant 352 : index
    %swap3A_320 = tpu.vector_load %arg14[%swap3A_319] {strides = array<i32>} : memref<400xi32, #tpu.memory_space<vmem>>, vector<16xi32>,
    %swap3A_321 = vector.shape_cast %swap3A_320 : vector<16xi32> to vector<16xi32>
    %swap3A_322 = vector.shape_cast %add3A_318 : vector<16xi32> to vector<16xi32>
    tpu.vector_store %arg14[%swap3A_319], %swap3A_322 {strides = array<i32>} : memref<400xi32, #tpu.memory_space<vmem>>, vector<16xi32>,
    %get3A_323 = arith.constant 368 : index
    %get3A_324 = tpu.vector_load %arg10[%get3A_323] {strides = array<i32>} : memref<400xi32, #tpu.memory_space<vmem>>, vector<16xi32>,
    %get3A_325 = vector.shape_cast %get3A_324 : vector<16xi32> to vector<16xi32>
    %mul3A_326 = arith.constant 256 : i32
    %mul3A_327 = vector.broadcast %mul3A_326 : i32 to vector<16xi32>
    %mul3A_328 = arith.muli %get3A_325, %mul3A_327 : vector<16xi32>
    %get3A_329 = arith.constant 368 : index
    %get3A_330 = tpu.vector_load %arg12[%get3A_329] {strides = array<i32>} : memref<400xi32, #tpu.memory_space<vmem>>, vector<16xi32>,
    %get3A_331 = vector.shape_cast %get3A_330 : vector<16xi32> to vector<16xi32>
    %add3A_332 = arith.addi %mul3A_328, %get3A_331 : vector<16xi32>
    %swap3A_333 = arith.constant 368 : index
    %swap3A_334 = tpu.vector_load %arg14[%swap3A_333] {strides = array<i32>} : memref<400xi32, #tpu.memory_space<vmem>>, vector<16xi32>,
    %swap3A_335 = vector.shape_cast %swap3A_334 : vector<16xi32> to vector<16xi32>
    %swap3A_336 = vector.shape_cast %add3A_332 : vector<16xi32> to vector<16xi32>
    tpu.vector_store %arg14[%swap3A_333], %swap3A_336 {strides = array<i32>} : memref<400xi32, #tpu.memory_space<vmem>>, vector<16xi32>,
    %get3A_337 = arith.constant 384 : index
    %get3A_338 = tpu.vector_load %arg10[%get3A_337] {strides = array<i32>} : memref<400xi32, #tpu.memory_space<vmem>>, vector<16xi32>,
    %get3A_339 = vector.shape_cast %get3A_338 : vector<16xi32> to vector<16xi32>
    %mul3A_340 = arith.constant 256 : i32
    %mul3A_341 = vector.broadcast %mul3A_340 : i32 to vector<16xi32>
    %mul3A_342 = arith.muli %get3A_339, %mul3A_341 : vector<16xi32>
    %get3A_343 = arith.constant 384 : index
    %get3A_344 = tpu.vector_load %arg12[%get3A_343] {strides = array<i32>} : memref<400xi32, #tpu.memory_space<vmem>>, vector<16xi32>,
    %get3A_345 = vector.shape_cast %get3A_344 : vector<16xi32> to vector<16xi32>
    %add3A_346 = arith.addi %mul3A_342, %get3A_345 : vector<16xi32>
    %swap3A_347 = arith.constant 384 : index
    %swap3A_348 = tpu.vector_load %arg14[%swap3A_347] {strides = array<i32>} : memref<400xi32, #tpu.memory_space<vmem>>, vector<16xi32>,
    %swap3A_349 = vector.shape_cast %swap3A_348 : vector<16xi32> to vector<16xi32>
    %swap3A_350 = vector.shape_cast %add3A_346 : vector<16xi32> to vector<16xi32>
    tpu.vector_store %arg14[%swap3A_347], %swap3A_350 {strides = array<i32>} : memref<400xi32, #tpu.memory_space<vmem>>, vector<16xi32>,
    %dma_start3A = arith.constant 0 : i32
    %dma_start3A_351 = arith.constant 0 : i32
    %dma_start3A_352 = tpu.memref_slice %arg16[%dma_start3A, %dma_start3A_351] : memref<400x64xf32, #tpu.memory_space<vmem>> -> memref<128x64xf32, #tpu.memory_space<vmem>>
    %dma_start3A_353 = arith.constant 0 : i32
    %dma_start3A_354 = tpu.memref_slice %arg8[%dma_start3A_353] : memref<400xi32, #tpu.memory_space<vmem>> -> memref<128xi32, #tpu.memory_space<vmem>>
    %dma_start3A_355 = arith.constant 0 : i32
    %dma_start3A_356 = arith.constant 0 : i32
    %dma_start3A_357 = tpu.memref_slice %arg5[%dma_start3A_355, %dma_start3A_356] : memref<100008x64xf32, #tpu.memory_space<hbm>> -> memref<100008x64xf32, #tpu.memory_space<hbm>>
    tpu.enqueue_indirect_dma source(%dma_start3A_357 : memref<100008x64xf32, #tpu.memory_space<hbm>>) target(%dma_start3A_352 : memref<128x64xf32, #tpu.memory_space<vmem>>) offsets(%dma_start3A_354 : memref<128xi32, #tpu.memory_space<vmem>>) semaphore(%arg20 : memref<!tpu.dma_semaphore, #tpu.memory_space<semaphore_mem>>)
    %dma_start3A_358 = arith.constant 0 : i32
    %dma_start3A_359 = arith.constant 0 : i32
    %dma_start3A_360 = tpu.memref_slice %arg18[%dma_start3A_358, %dma_start3A_359] : memref<400x64xf32, #tpu.memory_space<vmem>> -> memref<128x64xf32, #tpu.memory_space<vmem>>
    %dma_start3A_361 = arith.constant 0 : i32
    %dma_start3A_362 = tpu.memref_slice %arg14[%dma_start3A_361] : memref<400xi32, #tpu.memory_space<vmem>> -> memref<128xi32, #tpu.memory_space<vmem>>
    %dma_start3A_363 = arith.constant 0 : i32
    %dma_start3A_364 = arith.constant 0 : i32
    %dma_start3A_365 = tpu.memref_slice %arg6[%dma_start3A_363, %dma_start3A_364] : memref<2048x64xf32, #tpu.memory_space<hbm>> -> memref<2048x64xf32, #tpu.memory_space<hbm>>
    tpu.enqueue_indirect_dma source(%dma_start3A_365 : memref<2048x64xf32, #tpu.memory_space<hbm>>) target(%dma_start3A_360 : memref<128x64xf32, #tpu.memory_space<vmem>>) offsets(%dma_start3A_362 : memref<128xi32, #tpu.memory_space<vmem>>) semaphore(%arg20 : memref<!tpu.dma_semaphore, #tpu.memory_space<semaphore_mem>>)
    %dma_start3A_366 = arith.constant 128 : i32
    %dma_start3A_367 = arith.constant 0 : i32
    %dma_start3A_368 = tpu.memref_slice %arg16[%dma_start3A_366, %dma_start3A_367] : memref<400x64xf32, #tpu.memory_space<vmem>> -> memref<128x64xf32, #tpu.memory_space<vmem>>
    %dma_start3A_369 = arith.constant 128 : i32
    %dma_start3A_370 = tpu.memref_slice %arg8[%dma_start3A_369] : memref<400xi32, #tpu.memory_space<vmem>> -> memref<128xi32, #tpu.memory_space<vmem>>
    %dma_start3A_371 = arith.constant 0 : i32
    %dma_start3A_372 = arith.constant 0 : i32
    %dma_start3A_373 = tpu.memref_slice %arg5[%dma_start3A_371, %dma_start3A_372] : memref<100008x64xf32, #tpu.memory_space<hbm>> -> memref<100008x64xf32, #tpu.memory_space<hbm>>
    tpu.enqueue_indirect_dma source(%dma_start3A_373 : memref<100008x64xf32, #tpu.memory_space<hbm>>) target(%dma_start3A_368 : memref<128x64xf32, #tpu.memory_space<vmem>>) offsets(%dma_start3A_370 : memref<128xi32, #tpu.memory_space<vmem>>) semaphore(%arg20 : memref<!tpu.dma_semaphore, #tpu.memory_space<semaphore_mem>>)
    %dma_start3A_374 = arith.constant 128 : i32
    %dma_start3A_375 = arith.constant 0 : i32
    %dma_start3A_376 = tpu.memref_slice %arg18[%dma_start3A_374, %dma_start3A_375] : memref<400x64xf32, #tpu.memory_space<vmem>> -> memref<128x64xf32, #tpu.memory_space<vmem>>
    %dma_start3A_377 = arith.constant 128 : i32
    %dma_start3A_378 = tpu.memref_slice %arg14[%dma_start3A_377] : memref<400xi32, #tpu.memory_space<vmem>> -> memref<128xi32, #tpu.memory_space<vmem>>
    %dma_start3A_379 = arith.constant 0 : i32
    %dma_start3A_380 = arith.constant 0 : i32
    %dma_start3A_381 = tpu.memref_slice %arg6[%dma_start3A_379, %dma_start3A_380] : memref<2048x64xf32, #tpu.memory_space<hbm>> -> memref<2048x64xf32, #tpu.memory_space<hbm>>
    tpu.enqueue_indirect_dma source(%dma_start3A_381 : memref<2048x64xf32, #tpu.memory_space<hbm>>) target(%dma_start3A_376 : memref<128x64xf32, #tpu.memory_space<vmem>>) offsets(%dma_start3A_378 : memref<128xi32, #tpu.memory_space<vmem>>) semaphore(%arg20 : memref<!tpu.dma_semaphore, #tpu.memory_space<semaphore_mem>>)
    %dma_start3A_382 = arith.constant 256 : i32
    %dma_start3A_383 = arith.constant 0 : i32
    %dma_start3A_384 = tpu.memref_slice %arg16[%dma_start3A_382, %dma_start3A_383] : memref<400x64xf32, #tpu.memory_space<vmem>> -> memref<128x64xf32, #tpu.memory_space<vmem>>
    %dma_start3A_385 = arith.constant 256 : i32
    %dma_start3A_386 = tpu.memref_slice %arg8[%dma_start3A_385] : memref<400xi32, #tpu.memory_space<vmem>> -> memref<128xi32, #tpu.memory_space<vmem>>
    %dma_start3A_387 = arith.constant 0 : i32
    %dma_start3A_388 = arith.constant 0 : i32
    %dma_start3A_389 = tpu.memref_slice %arg5[%dma_start3A_387, %dma_start3A_388] : memref<100008x64xf32, #tpu.memory_space<hbm>> -> memref<100008x64xf32, #tpu.memory_space<hbm>>
    tpu.enqueue_indirect_dma source(%dma_start3A_389 : memref<100008x64xf32, #tpu.memory_space<hbm>>) target(%dma_start3A_384 : memref<128x64xf32, #tpu.memory_space<vmem>>) offsets(%dma_start3A_386 : memref<128xi32, #tpu.memory_space<vmem>>) semaphore(%arg20 : memref<!tpu.dma_semaphore, #tpu.memory_space<semaphore_mem>>)
    %dma_start3A_390 = arith.constant 256 : i32
    %dma_start3A_391 = arith.constant 0 : i32
    %dma_start3A_392 = tpu.memref_slice %arg18[%dma_start3A_390, %dma_start3A_391] : memref<400x64xf32, #tpu.memory_space<vmem>> -> memref<128x64xf32, #tpu.memory_space<vmem>>
    %dma_start3A_393 = arith.constant 256 : i32
    %dma_start3A_394 = tpu.memref_slice %arg14[%dma_start3A_393] : memref<400xi32, #tpu.memory_space<vmem>> -> memref<128xi32, #tpu.memory_space<vmem>>
    %dma_start3A_395 = arith.constant 0 : i32
    %dma_start3A_396 = arith.constant 0 : i32
    %dma_start3A_397 = tpu.memref_slice %arg6[%dma_start3A_395, %dma_start3A_396] : memref<2048x64xf32, #tpu.memory_space<hbm>> -> memref<2048x64xf32, #tpu.memory_space<hbm>>
    tpu.enqueue_indirect_dma source(%dma_start3A_397 : memref<2048x64xf32, #tpu.memory_space<hbm>>) target(%dma_start3A_392 : memref<128x64xf32, #tpu.memory_space<vmem>>) offsets(%dma_start3A_394 : memref<128xi32, #tpu.memory_space<vmem>>) semaphore(%arg20 : memref<!tpu.dma_semaphore, #tpu.memory_space<semaphore_mem>>)
    %dma_start3A_398 = arith.constant 384 : i32
    %dma_start3A_399 = arith.constant 0 : i32
    %dma_start3A_400 = tpu.memref_slice %arg16[%dma_start3A_398, %dma_start3A_399] : memref<400x64xf32, #tpu.memory_space<vmem>> -> memref<16x64xf32, #tpu.memory_space<vmem>>
    %dma_start3A_401 = arith.constant 384 : i32
    %dma_start3A_402 = tpu.memref_slice %arg8[%dma_start3A_401] : memref<400xi32, #tpu.memory_space<vmem>> -> memref<16xi32, #tpu.memory_space<vmem>>
    %dma_start3A_403 = arith.constant 0 : i32
    %dma_start3A_404 = arith.constant 0 : i32
    %dma_start3A_405 = tpu.memref_slice %arg5[%dma_start3A_403, %dma_start3A_404] : memref<100008x64xf32, #tpu.memory_space<hbm>> -> memref<100008x64xf32, #tpu.memory_space<hbm>>
    tpu.enqueue_indirect_dma source(%dma_start3A_405 : memref<100008x64xf32, #tpu.memory_space<hbm>>) target(%dma_start3A_400 : memref<16x64xf32, #tpu.memory_space<vmem>>) offsets(%dma_start3A_402 : memref<16xi32, #tpu.memory_space<vmem>>) semaphore(%arg20 : memref<!tpu.dma_semaphore, #tpu.memory_space<semaphore_mem>>)
    %dma_start3A_406 = arith.constant 384 : i32
    %dma_start3A_407 = arith.constant 0 : i32
    %dma_start3A_408 = tpu.memref_slice %arg18[%dma_start3A_406, %dma_start3A_407] : memref<400x64xf32, #tpu.memory_space<vmem>> -> memref<16x64xf32, #tpu.memory_space<vmem>>
    %dma_start3A_409 = arith.constant 384 : i32
    %dma_start3A_410 = tpu.memref_slice %arg14[%dma_start3A_409] : memref<400xi32, #tpu.memory_space<vmem>> -> memref<16xi32, #tpu.memory_space<vmem>>
    %dma_start3A_411 = arith.constant 0 : i32
    %dma_start3A_412 = arith.constant 0 : i32
    %dma_start3A_413 = tpu.memref_slice %arg6[%dma_start3A_411, %dma_start3A_412] : memref<2048x64xf32, #tpu.memory_space<hbm>> -> memref<2048x64xf32, #tpu.memory_space<hbm>>
    tpu.enqueue_indirect_dma source(%dma_start3A_413 : memref<2048x64xf32, #tpu.memory_space<hbm>>) target(%dma_start3A_408 : memref<16x64xf32, #tpu.memory_space<vmem>>) offsets(%dma_start3A_410 : memref<16xi32, #tpu.memory_space<vmem>>) semaphore(%arg20 : memref<!tpu.dma_semaphore, #tpu.memory_space<semaphore_mem>>)
    %scan3A = arith.constant 0 : i32
    %scan3A_414 = arith.constant 32 : i32
    %scan3A_415 = arith.addi %scan3A, %scan3A_414 : i32
    %scan3A_416 = arith.constant 1 : i32
    scf.for %scan3A_418 = %scan3A to %scan3A_415 step %scan3A_416  : i32 {
      %mul3A_419 = arith.constant 1 : i32
      %mul3A_420 = arith.muli %scan3A_418, %mul3A_419 : i32
      %add3A_421 = arith.constant 0 : i32
      %add3A_422 = arith.addi %add3A_421, %mul3A_420 : i32
      %mul3A_423 = arith.constant 2 : i32
      %mul3A_424 = arith.muli %add3A_422, %mul3A_423 : i32
      %add3A_425 = arith.constant 1 : i32
      %add3A_426 = arith.addi %mul3A_424, %add3A_425 : i32
      %mul3A_427 = arith.constant 400 : i32
      %mul3A_428 = arith.muli %add3A_426, %mul3A_427 : i32
      %add3A_429 = arith.addi %mul3A_2, %mul3A_428 : i32
      "tpu.region"() ({
        %run_scoped3A = tpu.sem_alloc : memref<!tpu.dma_semaphore, #tpu.memory_space<semaphore_mem>>
        %dma_start3A_889 = tpu.memref_slice %arg2[%add3A_429] : memref<819200xi32, #tpu.memory_space<hbm>> -> memref<400xi32, #tpu.memory_space<hbm>>
        %dma_start3A_890 = tpu.memref_slice %arg2[%add3A_429] : memref<819200xi32, #tpu.memory_space<hbm>> -> memref<400xi32, #tpu.memory_space<hbm>>
        tpu.enqueue_dma source(%dma_start3A_890 : memref<400xi32, #tpu.memory_space<hbm>>) target(%arg9 : memref<400xi32, #tpu.memory_space<vmem>>) target_semaphore(%run_scoped3A : memref<!tpu.dma_semaphore, #tpu.memory_space<semaphore_mem>>)
        %dma_wait3A_891 = tpu.memref_slice %arg2[%add3A_429] : memref<819200xi32, #tpu.memory_space<hbm>> -> memref<400xi32, #tpu.memory_space<hbm>>
        %dma_wait3A_892 = tpu.memref_slice %arg2[%add3A_429] : memref<819200xi32, #tpu.memory_space<hbm>> -> memref<400xi32, #tpu.memory_space<hbm>>
        tpu.wait_dma2 semaphore(%run_scoped3A : memref<!tpu.dma_semaphore, #tpu.memory_space<semaphore_mem>>) src(%dma_wait3A_892 : memref<400xi32, #tpu.memory_space<hbm>>) dst(%arg9 : memref<400xi32, #tpu.memory_space<vmem>>)
        tpu.yield
      }) : () -> ()
      "tpu.region"() ({
        %run_scoped3A = tpu.sem_alloc : memref<!tpu.dma_semaphore, #tpu.memory_space<semaphore_mem>>
        %dma_start3A_889 = tpu.memref_slice %arg3[%add3A_429] : memref<819200xi32, #tpu.memory_space<hbm>> -> memref<400xi32, #tpu.memory_space<hbm>>
        %dma_start3A_890 = tpu.memref_slice %arg3[%add3A_429] : memref<819200xi32, #tpu.memory_space<hbm>> -> memref<400xi32, #tpu.memory_space<hbm>>
        tpu.enqueue_dma source(%dma_start3A_890 : memref<400xi32, #tpu.memory_space<hbm>>) target(%arg11 : memref<400xi32, #tpu.memory_space<vmem>>) target_semaphore(%run_scoped3A : memref<!tpu.dma_semaphore, #tpu.memory_space<semaphore_mem>>)
        %dma_wait3A_891 = tpu.memref_slice %arg3[%add3A_429] : memref<819200xi32, #tpu.memory_space<hbm>> -> memref<400xi32, #tpu.memory_space<hbm>>
        %dma_wait3A_892 = tpu.memref_slice %arg3[%add3A_429] : memref<819200xi32, #tpu.memory_space<hbm>> -> memref<400xi32, #tpu.memory_space<hbm>>
        tpu.wait_dma2 semaphore(%run_scoped3A : memref<!tpu.dma_semaphore, #tpu.memory_space<semaphore_mem>>) src(%dma_wait3A_892 : memref<400xi32, #tpu.memory_space<hbm>>) dst(%arg11 : memref<400xi32, #tpu.memory_space<vmem>>)
        tpu.yield
      }) : () -> ()
      "tpu.region"() ({
        %run_scoped3A = tpu.sem_alloc : memref<!tpu.dma_semaphore, #tpu.memory_space<semaphore_mem>>
        %dma_start3A_889 = tpu.memref_slice %arg4[%add3A_429] : memref<819200xi32, #tpu.memory_space<hbm>> -> memref<400xi32, #tpu.memory_space<hbm>>
        %dma_start3A_890 = tpu.memref_slice %arg4[%add3A_429] : memref<819200xi32, #tpu.memory_space<hbm>> -> memref<400xi32, #tpu.memory_space<hbm>>
        tpu.enqueue_dma source(%dma_start3A_890 : memref<400xi32, #tpu.memory_space<hbm>>) target(%arg13 : memref<400xi32, #tpu.memory_space<vmem>>) target_semaphore(%run_scoped3A : memref<!tpu.dma_semaphore, #tpu.memory_space<semaphore_mem>>)
        %dma_wait3A_891 = tpu.memref_slice %arg4[%add3A_429] : memref<819200xi32, #tpu.memory_space<hbm>> -> memref<400xi32, #tpu.memory_space<hbm>>
        %dma_wait3A_892 = tpu.memref_slice %arg4[%add3A_429] : memref<819200xi32, #tpu.memory_space<hbm>> -> memref<400xi32, #tpu.memory_space<hbm>>
        tpu.wait_dma2 semaphore(%run_scoped3A : memref<!tpu.dma_semaphore, #tpu.memory_space<semaphore_mem>>) src(%dma_wait3A_892 : memref<400xi32, #tpu.memory_space<hbm>>) dst(%arg13 : memref<400xi32, #tpu.memory_space<vmem>>)
        tpu.yield
      }) : () -> ()
      %get3A_430 = arith.constant 0 : index
      %get3A_431 = tpu.vector_load %arg11[%get3A_430] {strides = array<i32>} : memref<400xi32, #tpu.memory_space<vmem>>, vector<16xi32>,
      %get3A_432 = vector.shape_cast %get3A_431 : vector<16xi32> to vector<16xi32>
      %mul3A_433 = arith.constant 256 : i32
      %mul3A_434 = vector.broadcast %mul3A_433 : i32 to vector<16xi32>
      %mul3A_435 = arith.muli %get3A_432, %mul3A_434 : vector<16xi32>
      %get3A_436 = arith.constant 0 : index
      %get3A_437 = tpu.vector_load %arg13[%get3A_436] {strides = array<i32>} : memref<400xi32, #tpu.memory_space<vmem>>, vector<16xi32>,
      %get3A_438 = vector.shape_cast %get3A_437 : vector<16xi32> to vector<16xi32>
      %add3A_439 = arith.addi %mul3A_435, %get3A_438 : vector<16xi32>
      %swap3A_440 = arith.constant 0 : index
      %swap3A_441 = tpu.vector_load %arg15[%swap3A_440] {strides = array<i32>} : memref<400xi32, #tpu.memory_space<vmem>>, vector<16xi32>,
      %swap3A_442 = vector.shape_cast %swap3A_441 : vector<16xi32> to vector<16xi32>
      %swap3A_443 = vector.shape_cast %add3A_439 : vector<16xi32> to vector<16xi32>
      tpu.vector_store %arg15[%swap3A_440], %swap3A_443 {strides = array<i32>} : memref<400xi32, #tpu.memory_space<vmem>>, vector<16xi32>,
      %get3A_444 = arith.constant 16 : index
      %get3A_445 = tpu.vector_load %arg11[%get3A_444] {strides = array<i32>} : memref<400xi32, #tpu.memory_space<vmem>>, vector<16xi32>,
      %get3A_446 = vector.shape_cast %get3A_445 : vector<16xi32> to vector<16xi32>
      %mul3A_447 = arith.constant 256 : i32
      %mul3A_448 = vector.broadcast %mul3A_447 : i32 to vector<16xi32>
      %mul3A_449 = arith.muli %get3A_446, %mul3A_448 : vector<16xi32>
      %get3A_450 = arith.constant 16 : index
      %get3A_451 = tpu.vector_load %arg13[%get3A_450] {strides = array<i32>} : memref<400xi32, #tpu.memory_space<vmem>>, vector<16xi32>,
      %get3A_452 = vector.shape_cast %get3A_451 : vector<16xi32> to vector<16xi32>
      %add3A_453 = arith.addi %mul3A_449, %get3A_452 : vector<16xi32>
      %swap3A_454 = arith.constant 16 : index
      %swap3A_455 = tpu.vector_load %arg15[%swap3A_454] {strides = array<i32>} : memref<400xi32, #tpu.memory_space<vmem>>, vector<16xi32>,
      %swap3A_456 = vector.shape_cast %swap3A_455 : vector<16xi32> to vector<16xi32>
      %swap3A_457 = vector.shape_cast %add3A_453 : vector<16xi32> to vector<16xi32>
      tpu.vector_store %arg15[%swap3A_454], %swap3A_457 {strides = array<i32>} : memref<400xi32, #tpu.memory_space<vmem>>, vector<16xi32>,
      %get3A_458 = arith.constant 32 : index
      %get3A_459 = tpu.vector_load %arg11[%get3A_458] {strides = array<i32>} : memref<400xi32, #tpu.memory_space<vmem>>, vector<16xi32>,
      %get3A_460 = vector.shape_cast %get3A_459 : vector<16xi32> to vector<16xi32>
      %mul3A_461 = arith.constant 256 : i32
      %mul3A_462 = vector.broadcast %mul3A_461 : i32 to vector<16xi32>
      %mul3A_463 = arith.muli %get3A_460, %mul3A_462 : vector<16xi32>
      %get3A_464 = arith.constant 32 : index
      %get3A_465 = tpu.vector_load %arg13[%get3A_464] {strides = array<i32>} : memref<400xi32, #tpu.memory_space<vmem>>, vector<16xi32>,
      %get3A_466 = vector.shape_cast %get3A_465 : vector<16xi32> to vector<16xi32>
      %add3A_467 = arith.addi %mul3A_463, %get3A_466 : vector<16xi32>
      %swap3A_468 = arith.constant 32 : index
      %swap3A_469 = tpu.vector_load %arg15[%swap3A_468] {strides = array<i32>} : memref<400xi32, #tpu.memory_space<vmem>>, vector<16xi32>,
      %swap3A_470 = vector.shape_cast %swap3A_469 : vector<16xi32> to vector<16xi32>
      %swap3A_471 = vector.shape_cast %add3A_467 : vector<16xi32> to vector<16xi32>
      tpu.vector_store %arg15[%swap3A_468], %swap3A_471 {strides = array<i32>} : memref<400xi32, #tpu.memory_space<vmem>>, vector<16xi32>,
      %get3A_472 = arith.constant 48 : index
      %get3A_473 = tpu.vector_load %arg11[%get3A_472] {strides = array<i32>} : memref<400xi32, #tpu.memory_space<vmem>>, vector<16xi32>,
      %get3A_474 = vector.shape_cast %get3A_473 : vector<16xi32> to vector<16xi32>
      %mul3A_475 = arith.constant 256 : i32
      %mul3A_476 = vector.broadcast %mul3A_475 : i32 to vector<16xi32>
      %mul3A_477 = arith.muli %get3A_474, %mul3A_476 : vector<16xi32>
      %get3A_478 = arith.constant 48 : index
      %get3A_479 = tpu.vector_load %arg13[%get3A_478] {strides = array<i32>} : memref<400xi32, #tpu.memory_space<vmem>>, vector<16xi32>,
      %get3A_480 = vector.shape_cast %get3A_479 : vector<16xi32> to vector<16xi32>
      %add3A_481 = arith.addi %mul3A_477, %get3A_480 : vector<16xi32>
      %swap3A_482 = arith.constant 48 : index
      %swap3A_483 = tpu.vector_load %arg15[%swap3A_482] {strides = array<i32>} : memref<400xi32, #tpu.memory_space<vmem>>, vector<16xi32>,
      %swap3A_484 = vector.shape_cast %swap3A_483 : vector<16xi32> to vector<16xi32>
      %swap3A_485 = vector.shape_cast %add3A_481 : vector<16xi32> to vector<16xi32>
      tpu.vector_store %arg15[%swap3A_482], %swap3A_485 {strides = array<i32>} : memref<400xi32, #tpu.memory_space<vmem>>, vector<16xi32>,
      %get3A_486 = arith.constant 64 : index
      %get3A_487 = tpu.vector_load %arg11[%get3A_486] {strides = array<i32>} : memref<400xi32, #tpu.memory_space<vmem>>, vector<16xi32>,
      %get3A_488 = vector.shape_cast %get3A_487 : vector<16xi32> to vector<16xi32>
      %mul3A_489 = arith.constant 256 : i32
      %mul3A_490 = vector.broadcast %mul3A_489 : i32 to vector<16xi32>
      %mul3A_491 = arith.muli %get3A_488, %mul3A_490 : vector<16xi32>
      %get3A_492 = arith.constant 64 : index
      %get3A_493 = tpu.vector_load %arg13[%get3A_492] {strides = array<i32>} : memref<400xi32, #tpu.memory_space<vmem>>, vector<16xi32>,
      %get3A_494 = vector.shape_cast %get3A_493 : vector<16xi32> to vector<16xi32>
      %add3A_495 = arith.addi %mul3A_491, %get3A_494 : vector<16xi32>
      %swap3A_496 = arith.constant 64 : index
      %swap3A_497 = tpu.vector_load %arg15[%swap3A_496] {strides = array<i32>} : memref<400xi32, #tpu.memory_space<vmem>>, vector<16xi32>,
      %swap3A_498 = vector.shape_cast %swap3A_497 : vector<16xi32> to vector<16xi32>
      %swap3A_499 = vector.shape_cast %add3A_495 : vector<16xi32> to vector<16xi32>
      tpu.vector_store %arg15[%swap3A_496], %swap3A_499 {strides = array<i32>} : memref<400xi32, #tpu.memory_space<vmem>>, vector<16xi32>,
      %get3A_500 = arith.constant 80 : index
      %get3A_501 = tpu.vector_load %arg11[%get3A_500] {strides = array<i32>} : memref<400xi32, #tpu.memory_space<vmem>>, vector<16xi32>,
      %get3A_502 = vector.shape_cast %get3A_501 : vector<16xi32> to vector<16xi32>
      %mul3A_503 = arith.constant 256 : i32
      %mul3A_504 = vector.broadcast %mul3A_503 : i32 to vector<16xi32>
      %mul3A_505 = arith.muli %get3A_502, %mul3A_504 : vector<16xi32>
      %get3A_506 = arith.constant 80 : index
      %get3A_507 = tpu.vector_load %arg13[%get3A_506] {strides = array<i32>} : memref<400xi32, #tpu.memory_space<vmem>>, vector<16xi32>,
      %get3A_508 = vector.shape_cast %get3A_507 : vector<16xi32> to vector<16xi32>
      %add3A_509 = arith.addi %mul3A_505, %get3A_508 : vector<16xi32>
      %swap3A_510 = arith.constant 80 : index
      %swap3A_511 = tpu.vector_load %arg15[%swap3A_510] {strides = array<i32>} : memref<400xi32, #tpu.memory_space<vmem>>, vector<16xi32>,
      %swap3A_512 = vector.shape_cast %swap3A_511 : vector<16xi32> to vector<16xi32>
      %swap3A_513 = vector.shape_cast %add3A_509 : vector<16xi32> to vector<16xi32>
      tpu.vector_store %arg15[%swap3A_510], %swap3A_513 {strides = array<i32>} : memref<400xi32, #tpu.memory_space<vmem>>, vector<16xi32>,
      %get3A_514 = arith.constant 96 : index
      %get3A_515 = tpu.vector_load %arg11[%get3A_514] {strides = array<i32>} : memref<400xi32, #tpu.memory_space<vmem>>, vector<16xi32>,
      %get3A_516 = vector.shape_cast %get3A_515 : vector<16xi32> to vector<16xi32>
      %mul3A_517 = arith.constant 256 : i32
      %mul3A_518 = vector.broadcast %mul3A_517 : i32 to vector<16xi32>
      %mul3A_519 = arith.muli %get3A_516, %mul3A_518 : vector<16xi32>
      %get3A_520 = arith.constant 96 : index
      %get3A_521 = tpu.vector_load %arg13[%get3A_520] {strides = array<i32>} : memref<400xi32, #tpu.memory_space<vmem>>, vector<16xi32>,
      %get3A_522 = vector.shape_cast %get3A_521 : vector<16xi32> to vector<16xi32>
      %add3A_523 = arith.addi %mul3A_519, %get3A_522 : vector<16xi32>
      %swap3A_524 = arith.constant 96 : index
      %swap3A_525 = tpu.vector_load %arg15[%swap3A_524] {strides = array<i32>} : memref<400xi32, #tpu.memory_space<vmem>>, vector<16xi32>,
      %swap3A_526 = vector.shape_cast %swap3A_525 : vector<16xi32> to vector<16xi32>
      %swap3A_527 = vector.shape_cast %add3A_523 : vector<16xi32> to vector<16xi32>
      tpu.vector_store %arg15[%swap3A_524], %swap3A_527 {strides = array<i32>} : memref<400xi32, #tpu.memory_space<vmem>>, vector<16xi32>,
      %get3A_528 = arith.constant 112 : index
      %get3A_529 = tpu.vector_load %arg11[%get3A_528] {strides = array<i32>} : memref<400xi32, #tpu.memory_space<vmem>>, vector<16xi32>,
      %get3A_530 = vector.shape_cast %get3A_529 : vector<16xi32> to vector<16xi32>
      %mul3A_531 = arith.constant 256 : i32
      %mul3A_532 = vector.broadcast %mul3A_531 : i32 to vector<16xi32>
      %mul3A_533 = arith.muli %get3A_530, %mul3A_532 : vector<16xi32>
      %get3A_534 = arith.constant 112 : index
      %get3A_535 = tpu.vector_load %arg13[%get3A_534] {strides = array<i32>} : memref<400xi32, #tpu.memory_space<vmem>>, vector<16xi32>,
      %get3A_536 = vector.shape_cast %get3A_535 : vector<16xi32> to vector<16xi32>
      %add3A_537 = arith.addi %mul3A_533, %get3A_536 : vector<16xi32>
      %swap3A_538 = arith.constant 112 : index
      %swap3A_539 = tpu.vector_load %arg15[%swap3A_538] {strides = array<i32>} : memref<400xi32, #tpu.memory_space<vmem>>, vector<16xi32>,
      %swap3A_540 = vector.shape_cast %swap3A_539 : vector<16xi32> to vector<16xi32>
      %swap3A_541 = vector.shape_cast %add3A_537 : vector<16xi32> to vector<16xi32>
      tpu.vector_store %arg15[%swap3A_538], %swap3A_541 {strides = array<i32>} : memref<400xi32, #tpu.memory_space<vmem>>, vector<16xi32>,
      %get3A_542 = arith.constant 128 : index
      %get3A_543 = tpu.vector_load %arg11[%get3A_542] {strides = array<i32>} : memref<400xi32, #tpu.memory_space<vmem>>, vector<16xi32>,
      %get3A_544 = vector.shape_cast %get3A_543 : vector<16xi32> to vector<16xi32>
      %mul3A_545 = arith.constant 256 : i32
      %mul3A_546 = vector.broadcast %mul3A_545 : i32 to vector<16xi32>
      %mul3A_547 = arith.muli %get3A_544, %mul3A_546 : vector<16xi32>
      %get3A_548 = arith.constant 128 : index
      %get3A_549 = tpu.vector_load %arg13[%get3A_548] {strides = array<i32>} : memref<400xi32, #tpu.memory_space<vmem>>, vector<16xi32>,
      %get3A_550 = vector.shape_cast %get3A_549 : vector<16xi32> to vector<16xi32>
      %add3A_551 = arith.addi %mul3A_547, %get3A_550 : vector<16xi32>
      %swap3A_552 = arith.constant 128 : index
      %swap3A_553 = tpu.vector_load %arg15[%swap3A_552] {strides = array<i32>} : memref<400xi32, #tpu.memory_space<vmem>>, vector<16xi32>,
      %swap3A_554 = vector.shape_cast %swap3A_553 : vector<16xi32> to vector<16xi32>
      %swap3A_555 = vector.shape_cast %add3A_551 : vector<16xi32> to vector<16xi32>
      tpu.vector_store %arg15[%swap3A_552], %swap3A_555 {strides = array<i32>} : memref<400xi32, #tpu.memory_space<vmem>>, vector<16xi32>,
      %get3A_556 = arith.constant 144 : index
      %get3A_557 = tpu.vector_load %arg11[%get3A_556] {strides = array<i32>} : memref<400xi32, #tpu.memory_space<vmem>>, vector<16xi32>,
      %get3A_558 = vector.shape_cast %get3A_557 : vector<16xi32> to vector<16xi32>
      %mul3A_559 = arith.constant 256 : i32
      %mul3A_560 = vector.broadcast %mul3A_559 : i32 to vector<16xi32>
      %mul3A_561 = arith.muli %get3A_558, %mul3A_560 : vector<16xi32>
      %get3A_562 = arith.constant 144 : index
      %get3A_563 = tpu.vector_load %arg13[%get3A_562] {strides = array<i32>} : memref<400xi32, #tpu.memory_space<vmem>>, vector<16xi32>,
      %get3A_564 = vector.shape_cast %get3A_563 : vector<16xi32> to vector<16xi32>
      %add3A_565 = arith.addi %mul3A_561, %get3A_564 : vector<16xi32>
      %swap3A_566 = arith.constant 144 : index
      %swap3A_567 = tpu.vector_load %arg15[%swap3A_566] {strides = array<i32>} : memref<400xi32, #tpu.memory_space<vmem>>, vector<16xi32>,
      %swap3A_568 = vector.shape_cast %swap3A_567 : vector<16xi32> to vector<16xi32>
      %swap3A_569 = vector.shape_cast %add3A_565 : vector<16xi32> to vector<16xi32>
      tpu.vector_store %arg15[%swap3A_566], %swap3A_569 {strides = array<i32>} : memref<400xi32, #tpu.memory_space<vmem>>, vector<16xi32>,
      %get3A_570 = arith.constant 160 : index
      %get3A_571 = tpu.vector_load %arg11[%get3A_570] {strides = array<i32>} : memref<400xi32, #tpu.memory_space<vmem>>, vector<16xi32>,
      %get3A_572 = vector.shape_cast %get3A_571 : vector<16xi32> to vector<16xi32>
      %mul3A_573 = arith.constant 256 : i32
      %mul3A_574 = vector.broadcast %mul3A_573 : i32 to vector<16xi32>
      %mul3A_575 = arith.muli %get3A_572, %mul3A_574 : vector<16xi32>
      %get3A_576 = arith.constant 160 : index
      %get3A_577 = tpu.vector_load %arg13[%get3A_576] {strides = array<i32>} : memref<400xi32, #tpu.memory_space<vmem>>, vector<16xi32>,
      %get3A_578 = vector.shape_cast %get3A_577 : vector<16xi32> to vector<16xi32>
      %add3A_579 = arith.addi %mul3A_575, %get3A_578 : vector<16xi32>
      %swap3A_580 = arith.constant 160 : index
      %swap3A_581 = tpu.vector_load %arg15[%swap3A_580] {strides = array<i32>} : memref<400xi32, #tpu.memory_space<vmem>>, vector<16xi32>,
      %swap3A_582 = vector.shape_cast %swap3A_581 : vector<16xi32> to vector<16xi32>
      %swap3A_583 = vector.shape_cast %add3A_579 : vector<16xi32> to vector<16xi32>
      tpu.vector_store %arg15[%swap3A_580], %swap3A_583 {strides = array<i32>} : memref<400xi32, #tpu.memory_space<vmem>>, vector<16xi32>,
      %get3A_584 = arith.constant 176 : index
      %get3A_585 = tpu.vector_load %arg11[%get3A_584] {strides = array<i32>} : memref<400xi32, #tpu.memory_space<vmem>>, vector<16xi32>,
      %get3A_586 = vector.shape_cast %get3A_585 : vector<16xi32> to vector<16xi32>
      %mul3A_587 = arith.constant 256 : i32
      %mul3A_588 = vector.broadcast %mul3A_587 : i32 to vector<16xi32>
      %mul3A_589 = arith.muli %get3A_586, %mul3A_588 : vector<16xi32>
      %get3A_590 = arith.constant 176 : index
      %get3A_591 = tpu.vector_load %arg13[%get3A_590] {strides = array<i32>} : memref<400xi32, #tpu.memory_space<vmem>>, vector<16xi32>,
      %get3A_592 = vector.shape_cast %get3A_591 : vector<16xi32> to vector<16xi32>
      %add3A_593 = arith.addi %mul3A_589, %get3A_592 : vector<16xi32>
      %swap3A_594 = arith.constant 176 : index
      %swap3A_595 = tpu.vector_load %arg15[%swap3A_594] {strides = array<i32>} : memref<400xi32, #tpu.memory_space<vmem>>, vector<16xi32>,
      %swap3A_596 = vector.shape_cast %swap3A_595 : vector<16xi32> to vector<16xi32>
      %swap3A_597 = vector.shape_cast %add3A_593 : vector<16xi32> to vector<16xi32>
      tpu.vector_store %arg15[%swap3A_594], %swap3A_597 {strides = array<i32>} : memref<400xi32, #tpu.memory_space<vmem>>, vector<16xi32>,
      %get3A_598 = arith.constant 192 : index
      %get3A_599 = tpu.vector_load %arg11[%get3A_598] {strides = array<i32>} : memref<400xi32, #tpu.memory_space<vmem>>, vector<16xi32>,
      %get3A_600 = vector.shape_cast %get3A_599 : vector<16xi32> to vector<16xi32>
      %mul3A_601 = arith.constant 256 : i32
      %mul3A_602 = vector.broadcast %mul3A_601 : i32 to vector<16xi32>
      %mul3A_603 = arith.muli %get3A_600, %mul3A_602 : vector<16xi32>
      %get3A_604 = arith.constant 192 : index
      %get3A_605 = tpu.vector_load %arg13[%get3A_604] {strides = array<i32>} : memref<400xi32, #tpu.memory_space<vmem>>, vector<16xi32>,
      %get3A_606 = vector.shape_cast %get3A_605 : vector<16xi32> to vector<16xi32>
      %add3A_607 = arith.addi %mul3A_603, %get3A_606 : vector<16xi32>
      %swap3A_608 = arith.constant 192 : index
      %swap3A_609 = tpu.vector_load %arg15[%swap3A_608] {strides = array<i32>} : memref<400xi32, #tpu.memory_space<vmem>>, vector<16xi32>,
      %swap3A_610 = vector.shape_cast %swap3A_609 : vector<16xi32> to vector<16xi32>
      %swap3A_611 = vector.shape_cast %add3A_607 : vector<16xi32> to vector<16xi32>
      tpu.vector_store %arg15[%swap3A_608], %swap3A_611 {strides = array<i32>} : memref<400xi32, #tpu.memory_space<vmem>>, vector<16xi32>,
      %get3A_612 = arith.constant 208 : index
      %get3A_613 = tpu.vector_load %arg11[%get3A_612] {strides = array<i32>} : memref<400xi32, #tpu.memory_space<vmem>>, vector<16xi32>,
      %get3A_614 = vector.shape_cast %get3A_613 : vector<16xi32> to vector<16xi32>
      %mul3A_615 = arith.constant 256 : i32
      %mul3A_616 = vector.broadcast %mul3A_615 : i32 to vector<16xi32>
      %mul3A_617 = arith.muli %get3A_614, %mul3A_616 : vector<16xi32>
      %get3A_618 = arith.constant 208 : index
      %get3A_619 = tpu.vector_load %arg13[%get3A_618] {strides = array<i32>} : memref<400xi32, #tpu.memory_space<vmem>>, vector<16xi32>,
      %get3A_620 = vector.shape_cast %get3A_619 : vector<16xi32> to vector<16xi32>
      %add3A_621 = arith.addi %mul3A_617, %get3A_620 : vector<16xi32>
      %swap3A_622 = arith.constant 208 : index
      %swap3A_623 = tpu.vector_load %arg15[%swap3A_622] {strides = array<i32>} : memref<400xi32, #tpu.memory_space<vmem>>, vector<16xi32>,
      %swap3A_624 = vector.shape_cast %swap3A_623 : vector<16xi32> to vector<16xi32>
      %swap3A_625 = vector.shape_cast %add3A_621 : vector<16xi32> to vector<16xi32>
      tpu.vector_store %arg15[%swap3A_622], %swap3A_625 {strides = array<i32>} : memref<400xi32, #tpu.memory_space<vmem>>, vector<16xi32>,
      %get3A_626 = arith.constant 224 : index
      %get3A_627 = tpu.vector_load %arg11[%get3A_626] {strides = array<i32>} : memref<400xi32, #tpu.memory_space<vmem>>, vector<16xi32>,
      %get3A_628 = vector.shape_cast %get3A_627 : vector<16xi32> to vector<16xi32>
      %mul3A_629 = arith.constant 256 : i32
      %mul3A_630 = vector.broadcast %mul3A_629 : i32 to vector<16xi32>
      %mul3A_631 = arith.muli %get3A_628, %mul3A_630 : vector<16xi32>
      %get3A_632 = arith.constant 224 : index
      %get3A_633 = tpu.vector_load %arg13[%get3A_632] {strides = array<i32>} : memref<400xi32, #tpu.memory_space<vmem>>, vector<16xi32>,
      %get3A_634 = vector.shape_cast %get3A_633 : vector<16xi32> to vector<16xi32>
      %add3A_635 = arith.addi %mul3A_631, %get3A_634 : vector<16xi32>
      %swap3A_636 = arith.constant 224 : index
      %swap3A_637 = tpu.vector_load %arg15[%swap3A_636] {strides = array<i32>} : memref<400xi32, #tpu.memory_space<vmem>>, vector<16xi32>,
      %swap3A_638 = vector.shape_cast %swap3A_637 : vector<16xi32> to vector<16xi32>
      %swap3A_639 = vector.shape_cast %add3A_635 : vector<16xi32> to vector<16xi32>
      tpu.vector_store %arg15[%swap3A_636], %swap3A_639 {strides = array<i32>} : memref<400xi32, #tpu.memory_space<vmem>>, vector<16xi32>,
      %get3A_640 = arith.constant 240 : index
      %get3A_641 = tpu.vector_load %arg11[%get3A_640] {strides = array<i32>} : memref<400xi32, #tpu.memory_space<vmem>>, vector<16xi32>,
      %get3A_642 = vector.shape_cast %get3A_641 : vector<16xi32> to vector<16xi32>
      %mul3A_643 = arith.constant 256 : i32
      %mul3A_644 = vector.broadcast %mul3A_643 : i32 to vector<16xi32>
      %mul3A_645 = arith.muli %get3A_642, %mul3A_644 : vector<16xi32>
      %get3A_646 = arith.constant 240 : index
      %get3A_647 = tpu.vector_load %arg13[%get3A_646] {strides = array<i32>} : memref<400xi32, #tpu.memory_space<vmem>>, vector<16xi32>,
      %get3A_648 = vector.shape_cast %get3A_647 : vector<16xi32> to vector<16xi32>
      %add3A_649 = arith.addi %mul3A_645, %get3A_648 : vector<16xi32>
      %swap3A_650 = arith.constant 240 : index
      %swap3A_651 = tpu.vector_load %arg15[%swap3A_650] {strides = array<i32>} : memref<400xi32, #tpu.memory_space<vmem>>, vector<16xi32>,
      %swap3A_652 = vector.shape_cast %swap3A_651 : vector<16xi32> to vector<16xi32>
      %swap3A_653 = vector.shape_cast %add3A_649 : vector<16xi32> to vector<16xi32>
      tpu.vector_store %arg15[%swap3A_650], %swap3A_653 {strides = array<i32>} : memref<400xi32, #tpu.memory_space<vmem>>, vector<16xi32>,
      %get3A_654 = arith.constant 256 : index
      %get3A_655 = tpu.vector_load %arg11[%get3A_654] {strides = array<i32>} : memref<400xi32, #tpu.memory_space<vmem>>, vector<16xi32>,
      %get3A_656 = vector.shape_cast %get3A_655 : vector<16xi32> to vector<16xi32>
      %mul3A_657 = arith.constant 256 : i32
      %mul3A_658 = vector.broadcast %mul3A_657 : i32 to vector<16xi32>
      %mul3A_659 = arith.muli %get3A_656, %mul3A_658 : vector<16xi32>
      %get3A_660 = arith.constant 256 : index
      %get3A_661 = tpu.vector_load %arg13[%get3A_660] {strides = array<i32>} : memref<400xi32, #tpu.memory_space<vmem>>, vector<16xi32>,
      %get3A_662 = vector.shape_cast %get3A_661 : vector<16xi32> to vector<16xi32>
      %add3A_663 = arith.addi %mul3A_659, %get3A_662 : vector<16xi32>
      %swap3A_664 = arith.constant 256 : index
      %swap3A_665 = tpu.vector_load %arg15[%swap3A_664] {strides = array<i32>} : memref<400xi32, #tpu.memory_space<vmem>>, vector<16xi32>,
      %swap3A_666 = vector.shape_cast %swap3A_665 : vector<16xi32> to vector<16xi32>
      %swap3A_667 = vector.shape_cast %add3A_663 : vector<16xi32> to vector<16xi32>
      tpu.vector_store %arg15[%swap3A_664], %swap3A_667 {strides = array<i32>} : memref<400xi32, #tpu.memory_space<vmem>>, vector<16xi32>,
      %get3A_668 = arith.constant 272 : index
      %get3A_669 = tpu.vector_load %arg11[%get3A_668] {strides = array<i32>} : memref<400xi32, #tpu.memory_space<vmem>>, vector<16xi32>,
      %get3A_670 = vector.shape_cast %get3A_669 : vector<16xi32> to vector<16xi32>
      %mul3A_671 = arith.constant 256 : i32
      %mul3A_672 = vector.broadcast %mul3A_671 : i32 to vector<16xi32>
      %mul3A_673 = arith.muli %get3A_670, %mul3A_672 : vector<16xi32>
      %get3A_674 = arith.constant 272 : index
      %get3A_675 = tpu.vector_load %arg13[%get3A_674] {strides = array<i32>} : memref<400xi32, #tpu.memory_space<vmem>>, vector<16xi32>,
      %get3A_676 = vector.shape_cast %get3A_675 : vector<16xi32> to vector<16xi32>
      %add3A_677 = arith.addi %mul3A_673, %get3A_676 : vector<16xi32>
      %swap3A_678 = arith.constant 272 : index
      %swap3A_679 = tpu.vector_load %arg15[%swap3A_678] {strides = array<i32>} : memref<400xi32, #tpu.memory_space<vmem>>, vector<16xi32>,
      %swap3A_680 = vector.shape_cast %swap3A_679 : vector<16xi32> to vector<16xi32>
      %swap3A_681 = vector.shape_cast %add3A_677 : vector<16xi32> to vector<16xi32>
      tpu.vector_store %arg15[%swap3A_678], %swap3A_681 {strides = array<i32>} : memref<400xi32, #tpu.memory_space<vmem>>, vector<16xi32>,
      %get3A_682 = arith.constant 288 : index
      %get3A_683 = tpu.vector_load %arg11[%get3A_682] {strides = array<i32>} : memref<400xi32, #tpu.memory_space<vmem>>, vector<16xi32>,
      %get3A_684 = vector.shape_cast %get3A_683 : vector<16xi32> to vector<16xi32>
      %mul3A_685 = arith.constant 256 : i32
      %mul3A_686 = vector.broadcast %mul3A_685 : i32 to vector<16xi32>
      %mul3A_687 = arith.muli %get3A_684, %mul3A_686 : vector<16xi32>
      %get3A_688 = arith.constant 288 : index
      %get3A_689 = tpu.vector_load %arg13[%get3A_688] {strides = array<i32>} : memref<400xi32, #tpu.memory_space<vmem>>, vector<16xi32>,
      %get3A_690 = vector.shape_cast %get3A_689 : vector<16xi32> to vector<16xi32>
      %add3A_691 = arith.addi %mul3A_687, %get3A_690 : vector<16xi32>
      %swap3A_692 = arith.constant 288 : index
      %swap3A_693 = tpu.vector_load %arg15[%swap3A_692] {strides = array<i32>} : memref<400xi32, #tpu.memory_space<vmem>>, vector<16xi32>,
      %swap3A_694 = vector.shape_cast %swap3A_693 : vector<16xi32> to vector<16xi32>
      %swap3A_695 = vector.shape_cast %add3A_691 : vector<16xi32> to vector<16xi32>
      tpu.vector_store %arg15[%swap3A_692], %swap3A_695 {strides = array<i32>} : memref<400xi32, #tpu.memory_space<vmem>>, vector<16xi32>,
      %get3A_696 = arith.constant 304 : index
      %get3A_697 = tpu.vector_load %arg11[%get3A_696] {strides = array<i32>} : memref<400xi32, #tpu.memory_space<vmem>>, vector<16xi32>,
      %get3A_698 = vector.shape_cast %get3A_697 : vector<16xi32> to vector<16xi32>
      %mul3A_699 = arith.constant 256 : i32
      %mul3A_700 = vector.broadcast %mul3A_699 : i32 to vector<16xi32>
      %mul3A_701 = arith.muli %get3A_698, %mul3A_700 : vector<16xi32>
      %get3A_702 = arith.constant 304 : index
      %get3A_703 = tpu.vector_load %arg13[%get3A_702] {strides = array<i32>} : memref<400xi32, #tpu.memory_space<vmem>>, vector<16xi32>,
      %get3A_704 = vector.shape_cast %get3A_703 : vector<16xi32> to vector<16xi32>
      %add3A_705 = arith.addi %mul3A_701, %get3A_704 : vector<16xi32>
      %swap3A_706 = arith.constant 304 : index
      %swap3A_707 = tpu.vector_load %arg15[%swap3A_706] {strides = array<i32>} : memref<400xi32, #tpu.memory_space<vmem>>, vector<16xi32>,
      %swap3A_708 = vector.shape_cast %swap3A_707 : vector<16xi32> to vector<16xi32>
      %swap3A_709 = vector.shape_cast %add3A_705 : vector<16xi32> to vector<16xi32>
      tpu.vector_store %arg15[%swap3A_706], %swap3A_709 {strides = array<i32>} : memref<400xi32, #tpu.memory_space<vmem>>, vector<16xi32>,
      %get3A_710 = arith.constant 320 : index
      %get3A_711 = tpu.vector_load %arg11[%get3A_710] {strides = array<i32>} : memref<400xi32, #tpu.memory_space<vmem>>, vector<16xi32>,
      %get3A_712 = vector.shape_cast %get3A_711 : vector<16xi32> to vector<16xi32>
      %mul3A_713 = arith.constant 256 : i32
      %mul3A_714 = vector.broadcast %mul3A_713 : i32 to vector<16xi32>
      %mul3A_715 = arith.muli %get3A_712, %mul3A_714 : vector<16xi32>
      %get3A_716 = arith.constant 320 : index
      %get3A_717 = tpu.vector_load %arg13[%get3A_716] {strides = array<i32>} : memref<400xi32, #tpu.memory_space<vmem>>, vector<16xi32>,
      %get3A_718 = vector.shape_cast %get3A_717 : vector<16xi32> to vector<16xi32>
      %add3A_719 = arith.addi %mul3A_715, %get3A_718 : vector<16xi32>
      %swap3A_720 = arith.constant 320 : index
      %swap3A_721 = tpu.vector_load %arg15[%swap3A_720] {strides = array<i32>} : memref<400xi32, #tpu.memory_space<vmem>>, vector<16xi32>,
      %swap3A_722 = vector.shape_cast %swap3A_721 : vector<16xi32> to vector<16xi32>
      %swap3A_723 = vector.shape_cast %add3A_719 : vector<16xi32> to vector<16xi32>
      tpu.vector_store %arg15[%swap3A_720], %swap3A_723 {strides = array<i32>} : memref<400xi32, #tpu.memory_space<vmem>>, vector<16xi32>,
      %get3A_724 = arith.constant 336 : index
      %get3A_725 = tpu.vector_load %arg11[%get3A_724] {strides = array<i32>} : memref<400xi32, #tpu.memory_space<vmem>>, vector<16xi32>,
      %get3A_726 = vector.shape_cast %get3A_725 : vector<16xi32> to vector<16xi32>
      %mul3A_727 = arith.constant 256 : i32
      %mul3A_728 = vector.broadcast %mul3A_727 : i32 to vector<16xi32>
      %mul3A_729 = arith.muli %get3A_726, %mul3A_728 : vector<16xi32>
      %get3A_730 = arith.constant 336 : index
      %get3A_731 = tpu.vector_load %arg13[%get3A_730] {strides = array<i32>} : memref<400xi32, #tpu.memory_space<vmem>>, vector<16xi32>,
      %get3A_732 = vector.shape_cast %get3A_731 : vector<16xi32> to vector<16xi32>
      %add3A_733 = arith.addi %mul3A_729, %get3A_732 : vector<16xi32>
      %swap3A_734 = arith.constant 336 : index
      %swap3A_735 = tpu.vector_load %arg15[%swap3A_734] {strides = array<i32>} : memref<400xi32, #tpu.memory_space<vmem>>, vector<16xi32>,
      %swap3A_736 = vector.shape_cast %swap3A_735 : vector<16xi32> to vector<16xi32>
      %swap3A_737 = vector.shape_cast %add3A_733 : vector<16xi32> to vector<16xi32>
      tpu.vector_store %arg15[%swap3A_734], %swap3A_737 {strides = array<i32>} : memref<400xi32, #tpu.memory_space<vmem>>, vector<16xi32>,
      %get3A_738 = arith.constant 352 : index
      %get3A_739 = tpu.vector_load %arg11[%get3A_738] {strides = array<i32>} : memref<400xi32, #tpu.memory_space<vmem>>, vector<16xi32>,
      %get3A_740 = vector.shape_cast %get3A_739 : vector<16xi32> to vector<16xi32>
      %mul3A_741 = arith.constant 256 : i32
      %mul3A_742 = vector.broadcast %mul3A_741 : i32 to vector<16xi32>
      %mul3A_743 = arith.muli %get3A_740, %mul3A_742 : vector<16xi32>
      %get3A_744 = arith.constant 352 : index
      %get3A_745 = tpu.vector_load %arg13[%get3A_744] {strides = array<i32>} : memref<400xi32, #tpu.memory_space<vmem>>, vector<16xi32>,
      %get3A_746 = vector.shape_cast %get3A_745 : vector<16xi32> to vector<16xi32>
      %add3A_747 = arith.addi %mul3A_743, %get3A_746 : vector<16xi32>
      %swap3A_748 = arith.constant 352 : index
      %swap3A_749 = tpu.vector_load %arg15[%swap3A_748] {strides = array<i32>} : memref<400xi32, #tpu.memory_space<vmem>>, vector<16xi32>,
      %swap3A_750 = vector.shape_cast %swap3A_749 : vector<16xi32> to vector<16xi32>
      %swap3A_751 = vector.shape_cast %add3A_747 : vector<16xi32> to vector<16xi32>
      tpu.vector_store %arg15[%swap3A_748], %swap3A_751 {strides = array<i32>} : memref<400xi32, #tpu.memory_space<vmem>>, vector<16xi32>,
      %get3A_752 = arith.constant 368 : index
      %get3A_753 = tpu.vector_load %arg11[%get3A_752] {strides = array<i32>} : memref<400xi32, #tpu.memory_space<vmem>>, vector<16xi32>,
      %get3A_754 = vector.shape_cast %get3A_753 : vector<16xi32> to vector<16xi32>
      %mul3A_755 = arith.constant 256 : i32
      %mul3A_756 = vector.broadcast %mul3A_755 : i32 to vector<16xi32>
      %mul3A_757 = arith.muli %get3A_754, %mul3A_756 : vector<16xi32>
      %get3A_758 = arith.constant 368 : index
      %get3A_759 = tpu.vector_load %arg13[%get3A_758] {strides = array<i32>} : memref<400xi32, #tpu.memory_space<vmem>>, vector<16xi32>,
      %get3A_760 = vector.shape_cast %get3A_759 : vector<16xi32> to vector<16xi32>
      %add3A_761 = arith.addi %mul3A_757, %get3A_760 : vector<16xi32>
      %swap3A_762 = arith.constant 368 : index
      %swap3A_763 = tpu.vector_load %arg15[%swap3A_762] {strides = array<i32>} : memref<400xi32, #tpu.memory_space<vmem>>, vector<16xi32>,
      %swap3A_764 = vector.shape_cast %swap3A_763 : vector<16xi32> to vector<16xi32>
      %swap3A_765 = vector.shape_cast %add3A_761 : vector<16xi32> to vector<16xi32>
      tpu.vector_store %arg15[%swap3A_762], %swap3A_765 {strides = array<i32>} : memref<400xi32, #tpu.memory_space<vmem>>, vector<16xi32>,
      %get3A_766 = arith.constant 384 : index
      %get3A_767 = tpu.vector_load %arg11[%get3A_766] {strides = array<i32>} : memref<400xi32, #tpu.memory_space<vmem>>, vector<16xi32>,
      %get3A_768 = vector.shape_cast %get3A_767 : vector<16xi32> to vector<16xi32>
      %mul3A_769 = arith.constant 256 : i32
      %mul3A_770 = vector.broadcast %mul3A_769 : i32 to vector<16xi32>
      %mul3A_771 = arith.muli %get3A_768, %mul3A_770 : vector<16xi32>
      %get3A_772 = arith.constant 384 : index
      %get3A_773 = tpu.vector_load %arg13[%get3A_772] {strides = array<i32>} : memref<400xi32, #tpu.memory_space<vmem>>, vector<16xi32>,
      %get3A_774 = vector.shape_cast %get3A_773 : vector<16xi32> to vector<16xi32>
      %add3A_775 = arith.addi %mul3A_771, %get3A_774 : vector<16xi32>
      %swap3A_776 = arith.constant 384 : index
      %swap3A_777 = tpu.vector_load %arg15[%swap3A_776] {strides = array<i32>} : memref<400xi32, #tpu.memory_space<vmem>>, vector<16xi32>,
      %swap3A_778 = vector.shape_cast %swap3A_777 : vector<16xi32> to vector<16xi32>
      %swap3A_779 = vector.shape_cast %add3A_775 : vector<16xi32> to vector<16xi32>
      tpu.vector_store %arg15[%swap3A_776], %swap3A_779 {strides = array<i32>} : memref<400xi32, #tpu.memory_space<vmem>>, vector<16xi32>,
      %dma_start3A_780 = arith.constant 0 : i32
      %dma_start3A_781 = arith.constant 0 : i32
      %dma_start3A_782 = tpu.memref_slice %arg17[%dma_start3A_780, %dma_start3A_781] : memref<400x64xf32, #tpu.memory_space<vmem>> -> memref<128x64xf32, #tpu.memory_space<vmem>>
      %dma_start3A_783 = arith.constant 0 : i32
      %dma_start3A_784 = tpu.memref_slice %arg9[%dma_start3A_783] : memref<400xi32, #tpu.memory_space<vmem>> -> memref<128xi32, #tpu.memory_space<vmem>>
      %dma_start3A_785 = arith.constant 0 : i32
      %dma_start3A_786 = arith.constant 0 : i32
      %dma_start3A_787 = tpu.memref_slice %arg5[%dma_start3A_785, %dma_start3A_786] : memref<100008x64xf32, #tpu.memory_space<hbm>> -> memref<100008x64xf32, #tpu.memory_space<hbm>>
      tpu.enqueue_indirect_dma source(%dma_start3A_787 : memref<100008x64xf32, #tpu.memory_space<hbm>>) target(%dma_start3A_782 : memref<128x64xf32, #tpu.memory_space<vmem>>) offsets(%dma_start3A_784 : memref<128xi32, #tpu.memory_space<vmem>>) semaphore(%arg21 : memref<!tpu.dma_semaphore, #tpu.memory_space<semaphore_mem>>)
      %dma_start3A_788 = arith.constant 0 : i32
      %dma_start3A_789 = arith.constant 0 : i32
      %dma_start3A_790 = tpu.memref_slice %arg19[%dma_start3A_788, %dma_start3A_789] : memref<400x64xf32, #tpu.memory_space<vmem>> -> memref<128x64xf32, #tpu.memory_space<vmem>>
      %dma_start3A_791 = arith.constant 0 : i32
      %dma_start3A_792 = tpu.memref_slice %arg15[%dma_start3A_791] : memref<400xi32, #tpu.memory_space<vmem>> -> memref<128xi32, #tpu.memory_space<vmem>>
      %dma_start3A_793 = arith.constant 0 : i32
      %dma_start3A_794 = arith.constant 0 : i32
      %dma_start3A_795 = tpu.memref_slice %arg6[%dma_start3A_793, %dma_start3A_794] : memref<2048x64xf32, #tpu.memory_space<hbm>> -> memref<2048x64xf32, #tpu.memory_space<hbm>>
      tpu.enqueue_indirect_dma source(%dma_start3A_795 : memref<2048x64xf32, #tpu.memory_space<hbm>>) target(%dma_start3A_790 : memref<128x64xf32, #tpu.memory_space<vmem>>) offsets(%dma_start3A_792 : memref<128xi32, #tpu.memory_space<vmem>>) semaphore(%arg21 : memref<!tpu.dma_semaphore, #tpu.memory_space<semaphore_mem>>)
      %dma_start3A_796 = arith.constant 128 : i32
      %dma_start3A_797 = arith.constant 0 : i32
      %dma_start3A_798 = tpu.memref_slice %arg17[%dma_start3A_796, %dma_start3A_797] : memref<400x64xf32, #tpu.memory_space<vmem>> -> memref<128x64xf32, #tpu.memory_space<vmem>>
      %dma_start3A_799 = arith.constant 128 : i32
      %dma_start3A_800 = tpu.memref_slice %arg9[%dma_start3A_799] : memref<400xi32, #tpu.memory_space<vmem>> -> memref<128xi32, #tpu.memory_space<vmem>>
      %dma_start3A_801 = arith.constant 0 : i32
      %dma_start3A_802 = arith.constant 0 : i32
      %dma_start3A_803 = tpu.memref_slice %arg5[%dma_start3A_801, %dma_start3A_802] : memref<100008x64xf32, #tpu.memory_space<hbm>> -> memref<100008x64xf32, #tpu.memory_space<hbm>>
      tpu.enqueue_indirect_dma source(%dma_start3A_803 : memref<100008x64xf32, #tpu.memory_space<hbm>>) target(%dma_start3A_798 : memref<128x64xf32, #tpu.memory_space<vmem>>) offsets(%dma_start3A_800 : memref<128xi32, #tpu.memory_space<vmem>>) semaphore(%arg21 : memref<!tpu.dma_semaphore, #tpu.memory_space<semaphore_mem>>)
      %dma_start3A_804 = arith.constant 128 : i32
      %dma_start3A_805 = arith.constant 0 : i32
      %dma_start3A_806 = tpu.memref_slice %arg19[%dma_start3A_804, %dma_start3A_805] : memref<400x64xf32, #tpu.memory_space<vmem>> -> memref<128x64xf32, #tpu.memory_space<vmem>>
      %dma_start3A_807 = arith.constant 128 : i32
      %dma_start3A_808 = tpu.memref_slice %arg15[%dma_start3A_807] : memref<400xi32, #tpu.memory_space<vmem>> -> memref<128xi32, #tpu.memory_space<vmem>>
      %dma_start3A_809 = arith.constant 0 : i32
      %dma_start3A_810 = arith.constant 0 : i32
      %dma_start3A_811 = tpu.memref_slice %arg6[%dma_start3A_809, %dma_start3A_810] : memref<2048x64xf32, #tpu.memory_space<hbm>> -> memref<2048x64xf32, #tpu.memory_space<hbm>>
      tpu.enqueue_indirect_dma source(%dma_start3A_811 : memref<2048x64xf32, #tpu.memory_space<hbm>>) target(%dma_start3A_806 : memref<128x64xf32, #tpu.memory_space<vmem>>) offsets(%dma_start3A_808 : memref<128xi32, #tpu.memory_space<vmem>>) semaphore(%arg21 : memref<!tpu.dma_semaphore, #tpu.memory_space<semaphore_mem>>)
      %dma_start3A_812 = arith.constant 256 : i32
      %dma_start3A_813 = arith.constant 0 : i32
      %dma_start3A_814 = tpu.memref_slice %arg17[%dma_start3A_812, %dma_start3A_813] : memref<400x64xf32, #tpu.memory_space<vmem>> -> memref<128x64xf32, #tpu.memory_space<vmem>>
      %dma_start3A_815 = arith.constant 256 : i32
      %dma_start3A_816 = tpu.memref_slice %arg9[%dma_start3A_815] : memref<400xi32, #tpu.memory_space<vmem>> -> memref<128xi32, #tpu.memory_space<vmem>>
      %dma_start3A_817 = arith.constant 0 : i32
      %dma_start3A_818 = arith.constant 0 : i32
      %dma_start3A_819 = tpu.memref_slice %arg5[%dma_start3A_817, %dma_start3A_818] : memref<100008x64xf32, #tpu.memory_space<hbm>> -> memref<100008x64xf32, #tpu.memory_space<hbm>>
      tpu.enqueue_indirect_dma source(%dma_start3A_819 : memref<100008x64xf32, #tpu.memory_space<hbm>>) target(%dma_start3A_814 : memref<128x64xf32, #tpu.memory_space<vmem>>) offsets(%dma_start3A_816 : memref<128xi32, #tpu.memory_space<vmem>>) semaphore(%arg21 : memref<!tpu.dma_semaphore, #tpu.memory_space<semaphore_mem>>)
      %dma_start3A_820 = arith.constant 256 : i32
      %dma_start3A_821 = arith.constant 0 : i32
      %dma_start3A_822 = tpu.memref_slice %arg19[%dma_start3A_820, %dma_start3A_821] : memref<400x64xf32, #tpu.memory_space<vmem>> -> memref<128x64xf32, #tpu.memory_space<vmem>>
      %dma_start3A_823 = arith.constant 256 : i32
      %dma_start3A_824 = tpu.memref_slice %arg15[%dma_start3A_823] : memref<400xi32, #tpu.memory_space<vmem>> -> memref<128xi32, #tpu.memory_space<vmem>>
      %dma_start3A_825 = arith.constant 0 : i32
      %dma_start3A_826 = arith.constant 0 : i32
      %dma_start3A_827 = tpu.memref_slice %arg6[%dma_start3A_825, %dma_start3A_826] : memref<2048x64xf32, #tpu.memory_space<hbm>> -> memref<2048x64xf32, #tpu.memory_space<hbm>>
      tpu.enqueue_indirect_dma source(%dma_start3A_827 : memref<2048x64xf32, #tpu.memory_space<hbm>>) target(%dma_start3A_822 : memref<128x64xf32, #tpu.memory_space<vmem>>) offsets(%dma_start3A_824 : memref<128xi32, #tpu.memory_space<vmem>>) semaphore(%arg21 : memref<!tpu.dma_semaphore, #tpu.memory_space<semaphore_mem>>)
      %dma_start3A_828 = arith.constant 384 : i32
      %dma_start3A_829 = arith.constant 0 : i32
      %dma_start3A_830 = tpu.memref_slice %arg17[%dma_start3A_828, %dma_start3A_829] : memref<400x64xf32, #tpu.memory_space<vmem>> -> memref<16x64xf32, #tpu.memory_space<vmem>>
      %dma_start3A_831 = arith.constant 384 : i32
      %dma_start3A_832 = tpu.memref_slice %arg9[%dma_start3A_831] : memref<400xi32, #tpu.memory_space<vmem>> -> memref<16xi32, #tpu.memory_space<vmem>>
      %dma_start3A_833 = arith.constant 0 : i32
      %dma_start3A_834 = arith.constant 0 : i32
      %dma_start3A_835 = tpu.memref_slice %arg5[%dma_start3A_833, %dma_start3A_834] : memref<100008x64xf32, #tpu.memory_space<hbm>> -> memref<100008x64xf32, #tpu.memory_space<hbm>>
      tpu.enqueue_indirect_dma source(%dma_start3A_835 : memref<100008x64xf32, #tpu.memory_space<hbm>>) target(%dma_start3A_830 : memref<16x64xf32, #tpu.memory_space<vmem>>) offsets(%dma_start3A_832 : memref<16xi32, #tpu.memory_space<vmem>>) semaphore(%arg21 : memref<!tpu.dma_semaphore, #tpu.memory_space<semaphore_mem>>)
      %dma_start3A_836 = arith.constant 384 : i32
      %dma_start3A_837 = arith.constant 0 : i32
      %dma_start3A_838 = tpu.memref_slice %arg19[%dma_start3A_836, %dma_start3A_837] : memref<400x64xf32, #tpu.memory_space<vmem>> -> memref<16x64xf32, #tpu.memory_space<vmem>>
      %dma_start3A_839 = arith.constant 384 : i32
      %dma_start3A_840 = tpu.memref_slice %arg15[%dma_start3A_839] : memref<400xi32, #tpu.memory_space<vmem>> -> memref<16xi32, #tpu.memory_space<vmem>>
      %dma_start3A_841 = arith.constant 0 : i32
      %dma_start3A_842 = arith.constant 0 : i32
      %dma_start3A_843 = tpu.memref_slice %arg6[%dma_start3A_841, %dma_start3A_842] : memref<2048x64xf32, #tpu.memory_space<hbm>> -> memref<2048x64xf32, #tpu.memory_space<hbm>>
      tpu.enqueue_indirect_dma source(%dma_start3A_843 : memref<2048x64xf32, #tpu.memory_space<hbm>>) target(%dma_start3A_838 : memref<16x64xf32, #tpu.memory_space<vmem>>) offsets(%dma_start3A_840 : memref<16xi32, #tpu.memory_space<vmem>>) semaphore(%arg21 : memref<!tpu.dma_semaphore, #tpu.memory_space<semaphore_mem>>)
      %dma_wait3A = arith.constant 0 : i32
      %dma_wait3A_844 = arith.constant 0 : i32
      %dma_wait3A_845 = tpu.memref_slice %arg5[%dma_wait3A, %dma_wait3A_844] : memref<100008x64xf32, #tpu.memory_space<hbm>> -> memref<400x64xf32, #tpu.memory_space<hbm>>
      %dma_wait3A_846 = arith.constant 0 : i32
      %dma_wait3A_847 = arith.constant 0 : i32
      %dma_wait3A_848 = tpu.memref_slice %arg5[%dma_wait3A_846, %dma_wait3A_847] : memref<100008x64xf32, #tpu.memory_space<hbm>> -> memref<400x64xf32, #tpu.memory_space<hbm>>
      tpu.wait_dma2 semaphore(%arg20 : memref<!tpu.dma_semaphore, #tpu.memory_space<semaphore_mem>>) src(%dma_wait3A_848 : memref<400x64xf32, #tpu.memory_space<hbm>>) dst(%arg16 : memref<400x64xf32, #tpu.memory_space<vmem>>)
      %dma_wait3A_849 = arith.constant 0 : i32
      %dma_wait3A_850 = arith.constant 0 : i32
      %dma_wait3A_851 = tpu.memref_slice %arg6[%dma_wait3A_849, %dma_wait3A_850] : memref<2048x64xf32, #tpu.memory_space<hbm>> -> memref<400x64xf32, #tpu.memory_space<hbm>>
      %dma_wait3A_852 = arith.constant 0 : i32
      %dma_wait3A_853 = arith.constant 0 : i32
      %dma_wait3A_854 = tpu.memref_slice %arg6[%dma_wait3A_852, %dma_wait3A_853] : memref<2048x64xf32, #tpu.memory_space<hbm>> -> memref<400x64xf32, #tpu.memory_space<hbm>>
      tpu.wait_dma2 semaphore(%arg20 : memref<!tpu.dma_semaphore, #tpu.memory_space<semaphore_mem>>) src(%dma_wait3A_854 : memref<400x64xf32, #tpu.memory_space<hbm>>) dst(%arg18 : memref<400x64xf32, #tpu.memory_space<vmem>>)
      %mul3A_855 = arith.constant 400 : i32
      %mul3A_856 = arith.muli %mul3A_424, %mul3A_855 : i32
      %add3A_857 = arith.addi %mul3A_2, %mul3A_856 : i32
      %scan3A_858 = arith.constant 0 : i32
      %scan3A_859 = arith.constant 400 : i32
      %scan3A_860 = arith.addi %scan3A_858, %scan3A_859 : i32
      %scan3A_861 = arith.constant 1 : i32
      scf.for %scan3A_889 = %scan3A_858 to %scan3A_860 step %scan3A_861  : i32 {
        %mul3A_890 = arith.constant 1 : i32
        %mul3A_891 = arith.muli %scan3A_889, %mul3A_890 : i32
        %add3A_892 = arith.constant 0 : i32
        %add3A_893 = arith.addi %add3A_892, %mul3A_891 : i32
        %get3A_894 = arith.index_cast %add3A_893 : i32 to index
        %get3A_895 = arith.constant 0 : index
        %get3A_896 = tpu.vector_load %arg18[%get3A_894, %get3A_895] {strides = array<i32>} : memref<400x64xf32, #tpu.memory_space<vmem>>, vector<1x16xf32>,
        %get3A_897 = vector.shape_cast %get3A_896 : vector<1x16xf32> to vector<16xf32>
        %swap3A_898 = arith.index_cast %add3A_893 : i32 to index
        %swap3A_899 = arith.constant 0 : index
        %swap3A_900 = tpu.vector_load %arg16[%swap3A_898, %swap3A_899] {strides = array<i32>} : memref<400x64xf32, #tpu.memory_space<vmem>>, vector<1x16xf32>,
        %swap3A_901 = vector.shape_cast %swap3A_900 : vector<1x16xf32> to vector<16xf32>
        %swap3A_902 = vector.shape_cast %get3A_897 : vector<16xf32> to vector<1x16xf32>
        tpu.vector_store %arg16[%swap3A_898, %swap3A_899], %swap3A_902 {add = true, strides = array<i32>} : memref<400x64xf32, #tpu.memory_space<vmem>>, vector<1x16xf32>,
        %get3A_903 = arith.index_cast %add3A_893 : i32 to index
        %get3A_904 = arith.constant 16 : index
        %get3A_905 = tpu.vector_load %arg18[%get3A_903, %get3A_904] {strides = array<i32>} : memref<400x64xf32, #tpu.memory_space<vmem>>, vector<1x16xf32>,
        %get3A_906 = vector.shape_cast %get3A_905 : vector<1x16xf32> to vector<16xf32>
        %swap3A_907 = arith.index_cast %add3A_893 : i32 to index
        %swap3A_908 = arith.constant 16 : index
        %swap3A_909 = tpu.vector_load %arg16[%swap3A_907, %swap3A_908] {strides = array<i32>} : memref<400x64xf32, #tpu.memory_space<vmem>>, vector<1x16xf32>,
        %swap3A_910 = vector.shape_cast %swap3A_909 : vector<1x16xf32> to vector<16xf32>
        %swap3A_911 = vector.shape_cast %get3A_906 : vector<16xf32> to vector<1x16xf32>
        tpu.vector_store %arg16[%swap3A_907, %swap3A_908], %swap3A_911 {add = true, strides = array<i32>} : memref<400x64xf32, #tpu.memory_space<vmem>>, vector<1x16xf32>,
        %get3A_912 = arith.index_cast %add3A_893 : i32 to index
        %get3A_913 = arith.constant 32 : index
        %get3A_914 = tpu.vector_load %arg18[%get3A_912, %get3A_913] {strides = array<i32>} : memref<400x64xf32, #tpu.memory_space<vmem>>, vector<1x16xf32>,
        %get3A_915 = vector.shape_cast %get3A_914 : vector<1x16xf32> to vector<16xf32>
        %swap3A_916 = arith.index_cast %add3A_893 : i32 to index
        %swap3A_917 = arith.constant 32 : index
        %swap3A_918 = tpu.vector_load %arg16[%swap3A_916, %swap3A_917] {strides = array<i32>} : memref<400x64xf32, #tpu.memory_space<vmem>>, vector<1x16xf32>,
        %swap3A_919 = vector.shape_cast %swap3A_918 : vector<1x16xf32> to vector<16xf32>
        %swap3A_920 = vector.shape_cast %get3A_915 : vector<16xf32> to vector<1x16xf32>
        tpu.vector_store %arg16[%swap3A_916, %swap3A_917], %swap3A_920 {add = true, strides = array<i32>} : memref<400x64xf32, #tpu.memory_space<vmem>>, vector<1x16xf32>,
        %get3A_921 = arith.index_cast %add3A_893 : i32 to index
        %get3A_922 = arith.constant 48 : index
        %get3A_923 = tpu.vector_load %arg18[%get3A_921, %get3A_922] {strides = array<i32>} : memref<400x64xf32, #tpu.memory_space<vmem>>, vector<1x16xf32>,
        %get3A_924 = vector.shape_cast %get3A_923 : vector<1x16xf32> to vector<16xf32>
        %swap3A_925 = arith.index_cast %add3A_893 : i32 to index
        %swap3A_926 = arith.constant 48 : index
        %swap3A_927 = tpu.vector_load %arg16[%swap3A_925, %swap3A_926] {strides = array<i32>} : memref<400x64xf32, #tpu.memory_space<vmem>>, vector<1x16xf32>,
        %swap3A_928 = vector.shape_cast %swap3A_927 : vector<1x16xf32> to vector<16xf32>
        %swap3A_929 = vector.shape_cast %get3A_924 : vector<16xf32> to vector<1x16xf32>
        tpu.vector_store %arg16[%swap3A_925, %swap3A_926], %swap3A_929 {add = true, strides = array<i32>} : memref<400x64xf32, #tpu.memory_space<vmem>>, vector<1x16xf32>,
      }
      %scan3A_862 = arith.constant 400 : i32
      "tpu.region"() ({
        %run_scoped3A = tpu.sem_alloc : memref<!tpu.dma_semaphore, #tpu.memory_space<semaphore_mem>>
        %dma_start3A_889 = arith.constant 0 : i32
        %dma_start3A_890 = tpu.memref_slice %arg7[%add3A_857, %dma_start3A_889] : memref<819200x64xf32, #tpu.memory_space<hbm>> -> memref<400x64xf32, #tpu.memory_space<hbm>>
        %dma_start3A_891 = arith.constant 0 : i32
        %dma_start3A_892 = tpu.memref_slice %arg7[%add3A_857, %dma_start3A_891] : memref<819200x64xf32, #tpu.memory_space<hbm>> -> memref<400x64xf32, #tpu.memory_space<hbm>>
        tpu.enqueue_dma source(%arg16 : memref<400x64xf32, #tpu.memory_space<vmem>>) target(%dma_start3A_892 : memref<400x64xf32, #tpu.memory_space<hbm>>) target_semaphore(%run_scoped3A : memref<!tpu.dma_semaphore, #tpu.memory_space<semaphore_mem>>)
        %dma_wait3A_893 = arith.constant 0 : i32
        %dma_wait3A_894 = tpu.memref_slice %arg7[%add3A_857, %dma_wait3A_893] : memref<819200x64xf32, #tpu.memory_space<hbm>> -> memref<400x64xf32, #tpu.memory_space<hbm>>
        %dma_wait3A_895 = arith.constant 0 : i32
        %dma_wait3A_896 = tpu.memref_slice %arg7[%add3A_857, %dma_wait3A_895] : memref<819200x64xf32, #tpu.memory_space<hbm>> -> memref<400x64xf32, #tpu.memory_space<hbm>>
        tpu.wait_dma2 semaphore(%run_scoped3A : memref<!tpu.dma_semaphore, #tpu.memory_space<semaphore_mem>>) src(%arg16 : memref<400x64xf32, #tpu.memory_space<vmem>>) dst(%dma_wait3A_896 : memref<400x64xf32, #tpu.memory_space<hbm>>)
        tpu.yield
      }) : () -> ()
      %add3A_863 = arith.constant 2 : i32
      %add3A_864 = arith.addi %mul3A_424, %add3A_863 : i32
      %lt3A = arith.constant 64 : i32
      %lt3A_865 = arith.cmpi slt, %add3A_864, %lt3A : i32
      %convert_element_type3A = arith.extui %lt3A_865 : i1 to i32
      %cond3A = arith.constant 0 : i32
      %cond3A_866 = arith.cmpi ne, %convert_element_type3A, %cond3A : i32
      scf.if %cond3A_866 {
        %add3A_889 = arith.constant 2 : i32
        %add3A_890 = arith.addi %mul3A_424, %add3A_889 : i32
        %mul3A_891 = arith.constant 400 : i32
        %mul3A_892 = arith.muli %add3A_890, %mul3A_891 : i32
        %add3A_893 = arith.addi %mul3A_2, %mul3A_892 : i32
        "tpu.region"() ({
          %run_scoped3A = tpu.sem_alloc : memref<!tpu.dma_semaphore, #tpu.memory_space<semaphore_mem>>
          %dma_start3A_1308 = tpu.memref_slice %arg2[%add3A_893] : memref<819200xi32, #tpu.memory_space<hbm>> -> memref<400xi32, #tpu.memory_space<hbm>>
          %dma_start3A_1309 = tpu.memref_slice %arg2[%add3A_893] : memref<819200xi32, #tpu.memory_space<hbm>> -> memref<400xi32, #tpu.memory_space<hbm>>
          tpu.enqueue_dma source(%dma_start3A_1309 : memref<400xi32, #tpu.memory_space<hbm>>) target(%arg8 : memref<400xi32, #tpu.memory_space<vmem>>) target_semaphore(%run_scoped3A : memref<!tpu.dma_semaphore, #tpu.memory_space<semaphore_mem>>)
          %dma_wait3A_1310 = tpu.memref_slice %arg2[%add3A_893] : memref<819200xi32, #tpu.memory_space<hbm>> -> memref<400xi32, #tpu.memory_space<hbm>>
          %dma_wait3A_1311 = tpu.memref_slice %arg2[%add3A_893] : memref<819200xi32, #tpu.memory_space<hbm>> -> memref<400xi32, #tpu.memory_space<hbm>>
          tpu.wait_dma2 semaphore(%run_scoped3A : memref<!tpu.dma_semaphore, #tpu.memory_space<semaphore_mem>>) src(%dma_wait3A_1311 : memref<400xi32, #tpu.memory_space<hbm>>) dst(%arg8 : memref<400xi32, #tpu.memory_space<vmem>>)
          tpu.yield
        }) : () -> ()
        "tpu.region"() ({
          %run_scoped3A = tpu.sem_alloc : memref<!tpu.dma_semaphore, #tpu.memory_space<semaphore_mem>>
          %dma_start3A_1308 = tpu.memref_slice %arg3[%add3A_893] : memref<819200xi32, #tpu.memory_space<hbm>> -> memref<400xi32, #tpu.memory_space<hbm>>
          %dma_start3A_1309 = tpu.memref_slice %arg3[%add3A_893] : memref<819200xi32, #tpu.memory_space<hbm>> -> memref<400xi32, #tpu.memory_space<hbm>>
          tpu.enqueue_dma source(%dma_start3A_1309 : memref<400xi32, #tpu.memory_space<hbm>>) target(%arg10 : memref<400xi32, #tpu.memory_space<vmem>>) target_semaphore(%run_scoped3A : memref<!tpu.dma_semaphore, #tpu.memory_space<semaphore_mem>>)
          %dma_wait3A_1310 = tpu.memref_slice %arg3[%add3A_893] : memref<819200xi32, #tpu.memory_space<hbm>> -> memref<400xi32, #tpu.memory_space<hbm>>
          %dma_wait3A_1311 = tpu.memref_slice %arg3[%add3A_893] : memref<819200xi32, #tpu.memory_space<hbm>> -> memref<400xi32, #tpu.memory_space<hbm>>
          tpu.wait_dma2 semaphore(%run_scoped3A : memref<!tpu.dma_semaphore, #tpu.memory_space<semaphore_mem>>) src(%dma_wait3A_1311 : memref<400xi32, #tpu.memory_space<hbm>>) dst(%arg10 : memref<400xi32, #tpu.memory_space<vmem>>)
          tpu.yield
        }) : () -> ()
        "tpu.region"() ({
          %run_scoped3A = tpu.sem_alloc : memref<!tpu.dma_semaphore, #tpu.memory_space<semaphore_mem>>
          %dma_start3A_1308 = tpu.memref_slice %arg4[%add3A_893] : memref<819200xi32, #tpu.memory_space<hbm>> -> memref<400xi32, #tpu.memory_space<hbm>>
          %dma_start3A_1309 = tpu.memref_slice %arg4[%add3A_893] : memref<819200xi32, #tpu.memory_space<hbm>> -> memref<400xi32, #tpu.memory_space<hbm>>
          tpu.enqueue_dma source(%dma_start3A_1309 : memref<400xi32, #tpu.memory_space<hbm>>) target(%arg12 : memref<400xi32, #tpu.memory_space<vmem>>) target_semaphore(%run_scoped3A : memref<!tpu.dma_semaphore, #tpu.memory_space<semaphore_mem>>)
          %dma_wait3A_1310 = tpu.memref_slice %arg4[%add3A_893] : memref<819200xi32, #tpu.memory_space<hbm>> -> memref<400xi32, #tpu.memory_space<hbm>>
          %dma_wait3A_1311 = tpu.memref_slice %arg4[%add3A_893] : memref<819200xi32, #tpu.memory_space<hbm>> -> memref<400xi32, #tpu.memory_space<hbm>>
          tpu.wait_dma2 semaphore(%run_scoped3A : memref<!tpu.dma_semaphore, #tpu.memory_space<semaphore_mem>>) src(%dma_wait3A_1311 : memref<400xi32, #tpu.memory_space<hbm>>) dst(%arg12 : memref<400xi32, #tpu.memory_space<vmem>>)
          tpu.yield
        }) : () -> ()
        %get3A_894 = arith.constant 0 : index
        %get3A_895 = tpu.vector_load %arg10[%get3A_894] {strides = array<i32>} : memref<400xi32, #tpu.memory_space<vmem>>, vector<16xi32>,
        %get3A_896 = vector.shape_cast %get3A_895 : vector<16xi32> to vector<16xi32>
        %mul3A_897 = arith.constant 256 : i32
        %mul3A_898 = vector.broadcast %mul3A_897 : i32 to vector<16xi32>
        %mul3A_899 = arith.muli %get3A_896, %mul3A_898 : vector<16xi32>
        %get3A_900 = arith.constant 0 : index
        %get3A_901 = tpu.vector_load %arg12[%get3A_900] {strides = array<i32>} : memref<400xi32, #tpu.memory_space<vmem>>, vector<16xi32>,
        %get3A_902 = vector.shape_cast %get3A_901 : vector<16xi32> to vector<16xi32>
        %add3A_903 = arith.addi %mul3A_899, %get3A_902 : vector<16xi32>
        %swap3A_904 = arith.constant 0 : index
        %swap3A_905 = tpu.vector_load %arg14[%swap3A_904] {strides = array<i32>} : memref<400xi32, #tpu.memory_space<vmem>>, vector<16xi32>,
        %swap3A_906 = vector.shape_cast %swap3A_905 : vector<16xi32> to vector<16xi32>
        %swap3A_907 = vector.shape_cast %add3A_903 : vector<16xi32> to vector<16xi32>
        tpu.vector_store %arg14[%swap3A_904], %swap3A_907 {strides = array<i32>} : memref<400xi32, #tpu.memory_space<vmem>>, vector<16xi32>,
        %get3A_908 = arith.constant 16 : index
        %get3A_909 = tpu.vector_load %arg10[%get3A_908] {strides = array<i32>} : memref<400xi32, #tpu.memory_space<vmem>>, vector<16xi32>,
        %get3A_910 = vector.shape_cast %get3A_909 : vector<16xi32> to vector<16xi32>
        %mul3A_911 = arith.constant 256 : i32
        %mul3A_912 = vector.broadcast %mul3A_911 : i32 to vector<16xi32>
        %mul3A_913 = arith.muli %get3A_910, %mul3A_912 : vector<16xi32>
        %get3A_914 = arith.constant 16 : index
        %get3A_915 = tpu.vector_load %arg12[%get3A_914] {strides = array<i32>} : memref<400xi32, #tpu.memory_space<vmem>>, vector<16xi32>,
        %get3A_916 = vector.shape_cast %get3A_915 : vector<16xi32> to vector<16xi32>
        %add3A_917 = arith.addi %mul3A_913, %get3A_916 : vector<16xi32>
        %swap3A_918 = arith.constant 16 : index
        %swap3A_919 = tpu.vector_load %arg14[%swap3A_918] {strides = array<i32>} : memref<400xi32, #tpu.memory_space<vmem>>, vector<16xi32>,
        %swap3A_920 = vector.shape_cast %swap3A_919 : vector<16xi32> to vector<16xi32>
        %swap3A_921 = vector.shape_cast %add3A_917 : vector<16xi32> to vector<16xi32>
        tpu.vector_store %arg14[%swap3A_918], %swap3A_921 {strides = array<i32>} : memref<400xi32, #tpu.memory_space<vmem>>, vector<16xi32>,
        %get3A_922 = arith.constant 32 : index
        %get3A_923 = tpu.vector_load %arg10[%get3A_922] {strides = array<i32>} : memref<400xi32, #tpu.memory_space<vmem>>, vector<16xi32>,
        %get3A_924 = vector.shape_cast %get3A_923 : vector<16xi32> to vector<16xi32>
        %mul3A_925 = arith.constant 256 : i32
        %mul3A_926 = vector.broadcast %mul3A_925 : i32 to vector<16xi32>
        %mul3A_927 = arith.muli %get3A_924, %mul3A_926 : vector<16xi32>
        %get3A_928 = arith.constant 32 : index
        %get3A_929 = tpu.vector_load %arg12[%get3A_928] {strides = array<i32>} : memref<400xi32, #tpu.memory_space<vmem>>, vector<16xi32>,
        %get3A_930 = vector.shape_cast %get3A_929 : vector<16xi32> to vector<16xi32>
        %add3A_931 = arith.addi %mul3A_927, %get3A_930 : vector<16xi32>
        %swap3A_932 = arith.constant 32 : index
        %swap3A_933 = tpu.vector_load %arg14[%swap3A_932] {strides = array<i32>} : memref<400xi32, #tpu.memory_space<vmem>>, vector<16xi32>,
        %swap3A_934 = vector.shape_cast %swap3A_933 : vector<16xi32> to vector<16xi32>
        %swap3A_935 = vector.shape_cast %add3A_931 : vector<16xi32> to vector<16xi32>
        tpu.vector_store %arg14[%swap3A_932], %swap3A_935 {strides = array<i32>} : memref<400xi32, #tpu.memory_space<vmem>>, vector<16xi32>,
        %get3A_936 = arith.constant 48 : index
        %get3A_937 = tpu.vector_load %arg10[%get3A_936] {strides = array<i32>} : memref<400xi32, #tpu.memory_space<vmem>>, vector<16xi32>,
        %get3A_938 = vector.shape_cast %get3A_937 : vector<16xi32> to vector<16xi32>
        %mul3A_939 = arith.constant 256 : i32
        %mul3A_940 = vector.broadcast %mul3A_939 : i32 to vector<16xi32>
        %mul3A_941 = arith.muli %get3A_938, %mul3A_940 : vector<16xi32>
        %get3A_942 = arith.constant 48 : index
        %get3A_943 = tpu.vector_load %arg12[%get3A_942] {strides = array<i32>} : memref<400xi32, #tpu.memory_space<vmem>>, vector<16xi32>,
        %get3A_944 = vector.shape_cast %get3A_943 : vector<16xi32> to vector<16xi32>
        %add3A_945 = arith.addi %mul3A_941, %get3A_944 : vector<16xi32>
        %swap3A_946 = arith.constant 48 : index
        %swap3A_947 = tpu.vector_load %arg14[%swap3A_946] {strides = array<i32>} : memref<400xi32, #tpu.memory_space<vmem>>, vector<16xi32>,
        %swap3A_948 = vector.shape_cast %swap3A_947 : vector<16xi32> to vector<16xi32>
        %swap3A_949 = vector.shape_cast %add3A_945 : vector<16xi32> to vector<16xi32>
        tpu.vector_store %arg14[%swap3A_946], %swap3A_949 {strides = array<i32>} : memref<400xi32, #tpu.memory_space<vmem>>, vector<16xi32>,
        %get3A_950 = arith.constant 64 : index
        %get3A_951 = tpu.vector_load %arg10[%get3A_950] {strides = array<i32>} : memref<400xi32, #tpu.memory_space<vmem>>, vector<16xi32>,
        %get3A_952 = vector.shape_cast %get3A_951 : vector<16xi32> to vector<16xi32>
        %mul3A_953 = arith.constant 256 : i32
        %mul3A_954 = vector.broadcast %mul3A_953 : i32 to vector<16xi32>
        %mul3A_955 = arith.muli %get3A_952, %mul3A_954 : vector<16xi32>
        %get3A_956 = arith.constant 64 : index
        %get3A_957 = tpu.vector_load %arg12[%get3A_956] {strides = array<i32>} : memref<400xi32, #tpu.memory_space<vmem>>, vector<16xi32>,
        %get3A_958 = vector.shape_cast %get3A_957 : vector<16xi32> to vector<16xi32>
        %add3A_959 = arith.addi %mul3A_955, %get3A_958 : vector<16xi32>
        %swap3A_960 = arith.constant 64 : index
        %swap3A_961 = tpu.vector_load %arg14[%swap3A_960] {strides = array<i32>} : memref<400xi32, #tpu.memory_space<vmem>>, vector<16xi32>,
        %swap3A_962 = vector.shape_cast %swap3A_961 : vector<16xi32> to vector<16xi32>
        %swap3A_963 = vector.shape_cast %add3A_959 : vector<16xi32> to vector<16xi32>
        tpu.vector_store %arg14[%swap3A_960], %swap3A_963 {strides = array<i32>} : memref<400xi32, #tpu.memory_space<vmem>>, vector<16xi32>,
        %get3A_964 = arith.constant 80 : index
        %get3A_965 = tpu.vector_load %arg10[%get3A_964] {strides = array<i32>} : memref<400xi32, #tpu.memory_space<vmem>>, vector<16xi32>,
        %get3A_966 = vector.shape_cast %get3A_965 : vector<16xi32> to vector<16xi32>
        %mul3A_967 = arith.constant 256 : i32
        %mul3A_968 = vector.broadcast %mul3A_967 : i32 to vector<16xi32>
        %mul3A_969 = arith.muli %get3A_966, %mul3A_968 : vector<16xi32>
        %get3A_970 = arith.constant 80 : index
        %get3A_971 = tpu.vector_load %arg12[%get3A_970] {strides = array<i32>} : memref<400xi32, #tpu.memory_space<vmem>>, vector<16xi32>,
        %get3A_972 = vector.shape_cast %get3A_971 : vector<16xi32> to vector<16xi32>
        %add3A_973 = arith.addi %mul3A_969, %get3A_972 : vector<16xi32>
        %swap3A_974 = arith.constant 80 : index
        %swap3A_975 = tpu.vector_load %arg14[%swap3A_974] {strides = array<i32>} : memref<400xi32, #tpu.memory_space<vmem>>, vector<16xi32>,
        %swap3A_976 = vector.shape_cast %swap3A_975 : vector<16xi32> to vector<16xi32>
        %swap3A_977 = vector.shape_cast %add3A_973 : vector<16xi32> to vector<16xi32>
        tpu.vector_store %arg14[%swap3A_974], %swap3A_977 {strides = array<i32>} : memref<400xi32, #tpu.memory_space<vmem>>, vector<16xi32>,
        %get3A_978 = arith.constant 96 : index
        %get3A_979 = tpu.vector_load %arg10[%get3A_978] {strides = array<i32>} : memref<400xi32, #tpu.memory_space<vmem>>, vector<16xi32>,
        %get3A_980 = vector.shape_cast %get3A_979 : vector<16xi32> to vector<16xi32>
        %mul3A_981 = arith.constant 256 : i32
        %mul3A_982 = vector.broadcast %mul3A_981 : i32 to vector<16xi32>
        %mul3A_983 = arith.muli %get3A_980, %mul3A_982 : vector<16xi32>
        %get3A_984 = arith.constant 96 : index
        %get3A_985 = tpu.vector_load %arg12[%get3A_984] {strides = array<i32>} : memref<400xi32, #tpu.memory_space<vmem>>, vector<16xi32>,
        %get3A_986 = vector.shape_cast %get3A_985 : vector<16xi32> to vector<16xi32>
        %add3A_987 = arith.addi %mul3A_983, %get3A_986 : vector<16xi32>
        %swap3A_988 = arith.constant 96 : index
        %swap3A_989 = tpu.vector_load %arg14[%swap3A_988] {strides = array<i32>} : memref<400xi32, #tpu.memory_space<vmem>>, vector<16xi32>,
        %swap3A_990 = vector.shape_cast %swap3A_989 : vector<16xi32> to vector<16xi32>
        %swap3A_991 = vector.shape_cast %add3A_987 : vector<16xi32> to vector<16xi32>
        tpu.vector_store %arg14[%swap3A_988], %swap3A_991 {strides = array<i32>} : memref<400xi32, #tpu.memory_space<vmem>>, vector<16xi32>,
        %get3A_992 = arith.constant 112 : index
        %get3A_993 = tpu.vector_load %arg10[%get3A_992] {strides = array<i32>} : memref<400xi32, #tpu.memory_space<vmem>>, vector<16xi32>,
        %get3A_994 = vector.shape_cast %get3A_993 : vector<16xi32> to vector<16xi32>
        %mul3A_995 = arith.constant 256 : i32
        %mul3A_996 = vector.broadcast %mul3A_995 : i32 to vector<16xi32>
        %mul3A_997 = arith.muli %get3A_994, %mul3A_996 : vector<16xi32>
        %get3A_998 = arith.constant 112 : index
        %get3A_999 = tpu.vector_load %arg12[%get3A_998] {strides = array<i32>} : memref<400xi32, #tpu.memory_space<vmem>>, vector<16xi32>,
        %get3A_1000 = vector.shape_cast %get3A_999 : vector<16xi32> to vector<16xi32>
        %add3A_1001 = arith.addi %mul3A_997, %get3A_1000 : vector<16xi32>
        %swap3A_1002 = arith.constant 112 : index
        %swap3A_1003 = tpu.vector_load %arg14[%swap3A_1002] {strides = array<i32>} : memref<400xi32, #tpu.memory_space<vmem>>, vector<16xi32>,
        %swap3A_1004 = vector.shape_cast %swap3A_1003 : vector<16xi32> to vector<16xi32>
        %swap3A_1005 = vector.shape_cast %add3A_1001 : vector<16xi32> to vector<16xi32>
        tpu.vector_store %arg14[%swap3A_1002], %swap3A_1005 {strides = array<i32>} : memref<400xi32, #tpu.memory_space<vmem>>, vector<16xi32>,
        %get3A_1006 = arith.constant 128 : index
        %get3A_1007 = tpu.vector_load %arg10[%get3A_1006] {strides = array<i32>} : memref<400xi32, #tpu.memory_space<vmem>>, vector<16xi32>,
        %get3A_1008 = vector.shape_cast %get3A_1007 : vector<16xi32> to vector<16xi32>
        %mul3A_1009 = arith.constant 256 : i32
        %mul3A_1010 = vector.broadcast %mul3A_1009 : i32 to vector<16xi32>
        %mul3A_1011 = arith.muli %get3A_1008, %mul3A_1010 : vector<16xi32>
        %get3A_1012 = arith.constant 128 : index
        %get3A_1013 = tpu.vector_load %arg12[%get3A_1012] {strides = array<i32>} : memref<400xi32, #tpu.memory_space<vmem>>, vector<16xi32>,
        %get3A_1014 = vector.shape_cast %get3A_1013 : vector<16xi32> to vector<16xi32>
        %add3A_1015 = arith.addi %mul3A_1011, %get3A_1014 : vector<16xi32>
        %swap3A_1016 = arith.constant 128 : index
        %swap3A_1017 = tpu.vector_load %arg14[%swap3A_1016] {strides = array<i32>} : memref<400xi32, #tpu.memory_space<vmem>>, vector<16xi32>,
        %swap3A_1018 = vector.shape_cast %swap3A_1017 : vector<16xi32> to vector<16xi32>
        %swap3A_1019 = vector.shape_cast %add3A_1015 : vector<16xi32> to vector<16xi32>
        tpu.vector_store %arg14[%swap3A_1016], %swap3A_1019 {strides = array<i32>} : memref<400xi32, #tpu.memory_space<vmem>>, vector<16xi32>,
        %get3A_1020 = arith.constant 144 : index
        %get3A_1021 = tpu.vector_load %arg10[%get3A_1020] {strides = array<i32>} : memref<400xi32, #tpu.memory_space<vmem>>, vector<16xi32>,
        %get3A_1022 = vector.shape_cast %get3A_1021 : vector<16xi32> to vector<16xi32>
        %mul3A_1023 = arith.constant 256 : i32
        %mul3A_1024 = vector.broadcast %mul3A_1023 : i32 to vector<16xi32>
        %mul3A_1025 = arith.muli %get3A_1022, %mul3A_1024 : vector<16xi32>
        %get3A_1026 = arith.constant 144 : index
        %get3A_1027 = tpu.vector_load %arg12[%get3A_1026] {strides = array<i32>} : memref<400xi32, #tpu.memory_space<vmem>>, vector<16xi32>,
        %get3A_1028 = vector.shape_cast %get3A_1027 : vector<16xi32> to vector<16xi32>
        %add3A_1029 = arith.addi %mul3A_1025, %get3A_1028 : vector<16xi32>
        %swap3A_1030 = arith.constant 144 : index
        %swap3A_1031 = tpu.vector_load %arg14[%swap3A_1030] {strides = array<i32>} : memref<400xi32, #tpu.memory_space<vmem>>, vector<16xi32>,
        %swap3A_1032 = vector.shape_cast %swap3A_1031 : vector<16xi32> to vector<16xi32>
        %swap3A_1033 = vector.shape_cast %add3A_1029 : vector<16xi32> to vector<16xi32>
        tpu.vector_store %arg14[%swap3A_1030], %swap3A_1033 {strides = array<i32>} : memref<400xi32, #tpu.memory_space<vmem>>, vector<16xi32>,
        %get3A_1034 = arith.constant 160 : index
        %get3A_1035 = tpu.vector_load %arg10[%get3A_1034] {strides = array<i32>} : memref<400xi32, #tpu.memory_space<vmem>>, vector<16xi32>,
        %get3A_1036 = vector.shape_cast %get3A_1035 : vector<16xi32> to vector<16xi32>
        %mul3A_1037 = arith.constant 256 : i32
        %mul3A_1038 = vector.broadcast %mul3A_1037 : i32 to vector<16xi32>
        %mul3A_1039 = arith.muli %get3A_1036, %mul3A_1038 : vector<16xi32>
        %get3A_1040 = arith.constant 160 : index
        %get3A_1041 = tpu.vector_load %arg12[%get3A_1040] {strides = array<i32>} : memref<400xi32, #tpu.memory_space<vmem>>, vector<16xi32>,
        %get3A_1042 = vector.shape_cast %get3A_1041 : vector<16xi32> to vector<16xi32>
        %add3A_1043 = arith.addi %mul3A_1039, %get3A_1042 : vector<16xi32>
        %swap3A_1044 = arith.constant 160 : index
        %swap3A_1045 = tpu.vector_load %arg14[%swap3A_1044] {strides = array<i32>} : memref<400xi32, #tpu.memory_space<vmem>>, vector<16xi32>,
        %swap3A_1046 = vector.shape_cast %swap3A_1045 : vector<16xi32> to vector<16xi32>
        %swap3A_1047 = vector.shape_cast %add3A_1043 : vector<16xi32> to vector<16xi32>
        tpu.vector_store %arg14[%swap3A_1044], %swap3A_1047 {strides = array<i32>} : memref<400xi32, #tpu.memory_space<vmem>>, vector<16xi32>,
        %get3A_1048 = arith.constant 176 : index
        %get3A_1049 = tpu.vector_load %arg10[%get3A_1048] {strides = array<i32>} : memref<400xi32, #tpu.memory_space<vmem>>, vector<16xi32>,
        %get3A_1050 = vector.shape_cast %get3A_1049 : vector<16xi32> to vector<16xi32>
        %mul3A_1051 = arith.constant 256 : i32
        %mul3A_1052 = vector.broadcast %mul3A_1051 : i32 to vector<16xi32>
        %mul3A_1053 = arith.muli %get3A_1050, %mul3A_1052 : vector<16xi32>
        %get3A_1054 = arith.constant 176 : index
        %get3A_1055 = tpu.vector_load %arg12[%get3A_1054] {strides = array<i32>} : memref<400xi32, #tpu.memory_space<vmem>>, vector<16xi32>,
        %get3A_1056 = vector.shape_cast %get3A_1055 : vector<16xi32> to vector<16xi32>
        %add3A_1057 = arith.addi %mul3A_1053, %get3A_1056 : vector<16xi32>
        %swap3A_1058 = arith.constant 176 : index
        %swap3A_1059 = tpu.vector_load %arg14[%swap3A_1058] {strides = array<i32>} : memref<400xi32, #tpu.memory_space<vmem>>, vector<16xi32>,
        %swap3A_1060 = vector.shape_cast %swap3A_1059 : vector<16xi32> to vector<16xi32>
        %swap3A_1061 = vector.shape_cast %add3A_1057 : vector<16xi32> to vector<16xi32>
        tpu.vector_store %arg14[%swap3A_1058], %swap3A_1061 {strides = array<i32>} : memref<400xi32, #tpu.memory_space<vmem>>, vector<16xi32>,
        %get3A_1062 = arith.constant 192 : index
        %get3A_1063 = tpu.vector_load %arg10[%get3A_1062] {strides = array<i32>} : memref<400xi32, #tpu.memory_space<vmem>>, vector<16xi32>,
        %get3A_1064 = vector.shape_cast %get3A_1063 : vector<16xi32> to vector<16xi32>
        %mul3A_1065 = arith.constant 256 : i32
        %mul3A_1066 = vector.broadcast %mul3A_1065 : i32 to vector<16xi32>
        %mul3A_1067 = arith.muli %get3A_1064, %mul3A_1066 : vector<16xi32>
        %get3A_1068 = arith.constant 192 : index
        %get3A_1069 = tpu.vector_load %arg12[%get3A_1068] {strides = array<i32>} : memref<400xi32, #tpu.memory_space<vmem>>, vector<16xi32>,
        %get3A_1070 = vector.shape_cast %get3A_1069 : vector<16xi32> to vector<16xi32>
        %add3A_1071 = arith.addi %mul3A_1067, %get3A_1070 : vector<16xi32>
        %swap3A_1072 = arith.constant 192 : index
        %swap3A_1073 = tpu.vector_load %arg14[%swap3A_1072] {strides = array<i32>} : memref<400xi32, #tpu.memory_space<vmem>>, vector<16xi32>,
        %swap3A_1074 = vector.shape_cast %swap3A_1073 : vector<16xi32> to vector<16xi32>
        %swap3A_1075 = vector.shape_cast %add3A_1071 : vector<16xi32> to vector<16xi32>
        tpu.vector_store %arg14[%swap3A_1072], %swap3A_1075 {strides = array<i32>} : memref<400xi32, #tpu.memory_space<vmem>>, vector<16xi32>,
        %get3A_1076 = arith.constant 208 : index
        %get3A_1077 = tpu.vector_load %arg10[%get3A_1076] {strides = array<i32>} : memref<400xi32, #tpu.memory_space<vmem>>, vector<16xi32>,
        %get3A_1078 = vector.shape_cast %get3A_1077 : vector<16xi32> to vector<16xi32>
        %mul3A_1079 = arith.constant 256 : i32
        %mul3A_1080 = vector.broadcast %mul3A_1079 : i32 to vector<16xi32>
        %mul3A_1081 = arith.muli %get3A_1078, %mul3A_1080 : vector<16xi32>
        %get3A_1082 = arith.constant 208 : index
        %get3A_1083 = tpu.vector_load %arg12[%get3A_1082] {strides = array<i32>} : memref<400xi32, #tpu.memory_space<vmem>>, vector<16xi32>,
        %get3A_1084 = vector.shape_cast %get3A_1083 : vector<16xi32> to vector<16xi32>
        %add3A_1085 = arith.addi %mul3A_1081, %get3A_1084 : vector<16xi32>
        %swap3A_1086 = arith.constant 208 : index
        %swap3A_1087 = tpu.vector_load %arg14[%swap3A_1086] {strides = array<i32>} : memref<400xi32, #tpu.memory_space<vmem>>, vector<16xi32>,
        %swap3A_1088 = vector.shape_cast %swap3A_1087 : vector<16xi32> to vector<16xi32>
        %swap3A_1089 = vector.shape_cast %add3A_1085 : vector<16xi32> to vector<16xi32>
        tpu.vector_store %arg14[%swap3A_1086], %swap3A_1089 {strides = array<i32>} : memref<400xi32, #tpu.memory_space<vmem>>, vector<16xi32>,
        %get3A_1090 = arith.constant 224 : index
        %get3A_1091 = tpu.vector_load %arg10[%get3A_1090] {strides = array<i32>} : memref<400xi32, #tpu.memory_space<vmem>>, vector<16xi32>,
        %get3A_1092 = vector.shape_cast %get3A_1091 : vector<16xi32> to vector<16xi32>
        %mul3A_1093 = arith.constant 256 : i32
        %mul3A_1094 = vector.broadcast %mul3A_1093 : i32 to vector<16xi32>
        %mul3A_1095 = arith.muli %get3A_1092, %mul3A_1094 : vector<16xi32>
        %get3A_1096 = arith.constant 224 : index
        %get3A_1097 = tpu.vector_load %arg12[%get3A_1096] {strides = array<i32>} : memref<400xi32, #tpu.memory_space<vmem>>, vector<16xi32>,
        %get3A_1098 = vector.shape_cast %get3A_1097 : vector<16xi32> to vector<16xi32>
        %add3A_1099 = arith.addi %mul3A_1095, %get3A_1098 : vector<16xi32>
        %swap3A_1100 = arith.constant 224 : index
        %swap3A_1101 = tpu.vector_load %arg14[%swap3A_1100] {strides = array<i32>} : memref<400xi32, #tpu.memory_space<vmem>>, vector<16xi32>,
        %swap3A_1102 = vector.shape_cast %swap3A_1101 : vector<16xi32> to vector<16xi32>
        %swap3A_1103 = vector.shape_cast %add3A_1099 : vector<16xi32> to vector<16xi32>
        tpu.vector_store %arg14[%swap3A_1100], %swap3A_1103 {strides = array<i32>} : memref<400xi32, #tpu.memory_space<vmem>>, vector<16xi32>,
        %get3A_1104 = arith.constant 240 : index
        %get3A_1105 = tpu.vector_load %arg10[%get3A_1104] {strides = array<i32>} : memref<400xi32, #tpu.memory_space<vmem>>, vector<16xi32>,
        %get3A_1106 = vector.shape_cast %get3A_1105 : vector<16xi32> to vector<16xi32>
        %mul3A_1107 = arith.constant 256 : i32
        %mul3A_1108 = vector.broadcast %mul3A_1107 : i32 to vector<16xi32>
        %mul3A_1109 = arith.muli %get3A_1106, %mul3A_1108 : vector<16xi32>
        %get3A_1110 = arith.constant 240 : index
        %get3A_1111 = tpu.vector_load %arg12[%get3A_1110] {strides = array<i32>} : memref<400xi32, #tpu.memory_space<vmem>>, vector<16xi32>,
        %get3A_1112 = vector.shape_cast %get3A_1111 : vector<16xi32> to vector<16xi32>
        %add3A_1113 = arith.addi %mul3A_1109, %get3A_1112 : vector<16xi32>
        %swap3A_1114 = arith.constant 240 : index
        %swap3A_1115 = tpu.vector_load %arg14[%swap3A_1114] {strides = array<i32>} : memref<400xi32, #tpu.memory_space<vmem>>, vector<16xi32>,
        %swap3A_1116 = vector.shape_cast %swap3A_1115 : vector<16xi32> to vector<16xi32>
        %swap3A_1117 = vector.shape_cast %add3A_1113 : vector<16xi32> to vector<16xi32>
        tpu.vector_store %arg14[%swap3A_1114], %swap3A_1117 {strides = array<i32>} : memref<400xi32, #tpu.memory_space<vmem>>, vector<16xi32>,
        %get3A_1118 = arith.constant 256 : index
        %get3A_1119 = tpu.vector_load %arg10[%get3A_1118] {strides = array<i32>} : memref<400xi32, #tpu.memory_space<vmem>>, vector<16xi32>,
        %get3A_1120 = vector.shape_cast %get3A_1119 : vector<16xi32> to vector<16xi32>
        %mul3A_1121 = arith.constant 256 : i32
        %mul3A_1122 = vector.broadcast %mul3A_1121 : i32 to vector<16xi32>
        %mul3A_1123 = arith.muli %get3A_1120, %mul3A_1122 : vector<16xi32>
        %get3A_1124 = arith.constant 256 : index
        %get3A_1125 = tpu.vector_load %arg12[%get3A_1124] {strides = array<i32>} : memref<400xi32, #tpu.memory_space<vmem>>, vector<16xi32>,
        %get3A_1126 = vector.shape_cast %get3A_1125 : vector<16xi32> to vector<16xi32>
        %add3A_1127 = arith.addi %mul3A_1123, %get3A_1126 : vector<16xi32>
        %swap3A_1128 = arith.constant 256 : index
        %swap3A_1129 = tpu.vector_load %arg14[%swap3A_1128] {strides = array<i32>} : memref<400xi32, #tpu.memory_space<vmem>>, vector<16xi32>,
        %swap3A_1130 = vector.shape_cast %swap3A_1129 : vector<16xi32> to vector<16xi32>
        %swap3A_1131 = vector.shape_cast %add3A_1127 : vector<16xi32> to vector<16xi32>
        tpu.vector_store %arg14[%swap3A_1128], %swap3A_1131 {strides = array<i32>} : memref<400xi32, #tpu.memory_space<vmem>>, vector<16xi32>,
        %get3A_1132 = arith.constant 272 : index
        %get3A_1133 = tpu.vector_load %arg10[%get3A_1132] {strides = array<i32>} : memref<400xi32, #tpu.memory_space<vmem>>, vector<16xi32>,
        %get3A_1134 = vector.shape_cast %get3A_1133 : vector<16xi32> to vector<16xi32>
        %mul3A_1135 = arith.constant 256 : i32
        %mul3A_1136 = vector.broadcast %mul3A_1135 : i32 to vector<16xi32>
        %mul3A_1137 = arith.muli %get3A_1134, %mul3A_1136 : vector<16xi32>
        %get3A_1138 = arith.constant 272 : index
        %get3A_1139 = tpu.vector_load %arg12[%get3A_1138] {strides = array<i32>} : memref<400xi32, #tpu.memory_space<vmem>>, vector<16xi32>,
        %get3A_1140 = vector.shape_cast %get3A_1139 : vector<16xi32> to vector<16xi32>
        %add3A_1141 = arith.addi %mul3A_1137, %get3A_1140 : vector<16xi32>
        %swap3A_1142 = arith.constant 272 : index
        %swap3A_1143 = tpu.vector_load %arg14[%swap3A_1142] {strides = array<i32>} : memref<400xi32, #tpu.memory_space<vmem>>, vector<16xi32>,
        %swap3A_1144 = vector.shape_cast %swap3A_1143 : vector<16xi32> to vector<16xi32>
        %swap3A_1145 = vector.shape_cast %add3A_1141 : vector<16xi32> to vector<16xi32>
        tpu.vector_store %arg14[%swap3A_1142], %swap3A_1145 {strides = array<i32>} : memref<400xi32, #tpu.memory_space<vmem>>, vector<16xi32>,
        %get3A_1146 = arith.constant 288 : index
        %get3A_1147 = tpu.vector_load %arg10[%get3A_1146] {strides = array<i32>} : memref<400xi32, #tpu.memory_space<vmem>>, vector<16xi32>,
        %get3A_1148 = vector.shape_cast %get3A_1147 : vector<16xi32> to vector<16xi32>
        %mul3A_1149 = arith.constant 256 : i32
        %mul3A_1150 = vector.broadcast %mul3A_1149 : i32 to vector<16xi32>
        %mul3A_1151 = arith.muli %get3A_1148, %mul3A_1150 : vector<16xi32>
        %get3A_1152 = arith.constant 288 : index
        %get3A_1153 = tpu.vector_load %arg12[%get3A_1152] {strides = array<i32>} : memref<400xi32, #tpu.memory_space<vmem>>, vector<16xi32>,
        %get3A_1154 = vector.shape_cast %get3A_1153 : vector<16xi32> to vector<16xi32>
        %add3A_1155 = arith.addi %mul3A_1151, %get3A_1154 : vector<16xi32>
        %swap3A_1156 = arith.constant 288 : index
        %swap3A_1157 = tpu.vector_load %arg14[%swap3A_1156] {strides = array<i32>} : memref<400xi32, #tpu.memory_space<vmem>>, vector<16xi32>,
        %swap3A_1158 = vector.shape_cast %swap3A_1157 : vector<16xi32> to vector<16xi32>
        %swap3A_1159 = vector.shape_cast %add3A_1155 : vector<16xi32> to vector<16xi32>
        tpu.vector_store %arg14[%swap3A_1156], %swap3A_1159 {strides = array<i32>} : memref<400xi32, #tpu.memory_space<vmem>>, vector<16xi32>,
        %get3A_1160 = arith.constant 304 : index
        %get3A_1161 = tpu.vector_load %arg10[%get3A_1160] {strides = array<i32>} : memref<400xi32, #tpu.memory_space<vmem>>, vector<16xi32>,
        %get3A_1162 = vector.shape_cast %get3A_1161 : vector<16xi32> to vector<16xi32>
        %mul3A_1163 = arith.constant 256 : i32
        %mul3A_1164 = vector.broadcast %mul3A_1163 : i32 to vector<16xi32>
        %mul3A_1165 = arith.muli %get3A_1162, %mul3A_1164 : vector<16xi32>
        %get3A_1166 = arith.constant 304 : index
        %get3A_1167 = tpu.vector_load %arg12[%get3A_1166] {strides = array<i32>} : memref<400xi32, #tpu.memory_space<vmem>>, vector<16xi32>,
        %get3A_1168 = vector.shape_cast %get3A_1167 : vector<16xi32> to vector<16xi32>
        %add3A_1169 = arith.addi %mul3A_1165, %get3A_1168 : vector<16xi32>
        %swap3A_1170 = arith.constant 304 : index
        %swap3A_1171 = tpu.vector_load %arg14[%swap3A_1170] {strides = array<i32>} : memref<400xi32, #tpu.memory_space<vmem>>, vector<16xi32>,
        %swap3A_1172 = vector.shape_cast %swap3A_1171 : vector<16xi32> to vector<16xi32>
        %swap3A_1173 = vector.shape_cast %add3A_1169 : vector<16xi32> to vector<16xi32>
        tpu.vector_store %arg14[%swap3A_1170], %swap3A_1173 {strides = array<i32>} : memref<400xi32, #tpu.memory_space<vmem>>, vector<16xi32>,
        %get3A_1174 = arith.constant 320 : index
        %get3A_1175 = tpu.vector_load %arg10[%get3A_1174] {strides = array<i32>} : memref<400xi32, #tpu.memory_space<vmem>>, vector<16xi32>,
        %get3A_1176 = vector.shape_cast %get3A_1175 : vector<16xi32> to vector<16xi32>
        %mul3A_1177 = arith.constant 256 : i32
        %mul3A_1178 = vector.broadcast %mul3A_1177 : i32 to vector<16xi32>
        %mul3A_1179 = arith.muli %get3A_1176, %mul3A_1178 : vector<16xi32>
        %get3A_1180 = arith.constant 320 : index
        %get3A_1181 = tpu.vector_load %arg12[%get3A_1180] {strides = array<i32>} : memref<400xi32, #tpu.memory_space<vmem>>, vector<16xi32>,
        %get3A_1182 = vector.shape_cast %get3A_1181 : vector<16xi32> to vector<16xi32>
        %add3A_1183 = arith.addi %mul3A_1179, %get3A_1182 : vector<16xi32>
        %swap3A_1184 = arith.constant 320 : index
        %swap3A_1185 = tpu.vector_load %arg14[%swap3A_1184] {strides = array<i32>} : memref<400xi32, #tpu.memory_space<vmem>>, vector<16xi32>,
        %swap3A_1186 = vector.shape_cast %swap3A_1185 : vector<16xi32> to vector<16xi32>
        %swap3A_1187 = vector.shape_cast %add3A_1183 : vector<16xi32> to vector<16xi32>
        tpu.vector_store %arg14[%swap3A_1184], %swap3A_1187 {strides = array<i32>} : memref<400xi32, #tpu.memory_space<vmem>>, vector<16xi32>,
        %get3A_1188 = arith.constant 336 : index
        %get3A_1189 = tpu.vector_load %arg10[%get3A_1188] {strides = array<i32>} : memref<400xi32, #tpu.memory_space<vmem>>, vector<16xi32>,
        %get3A_1190 = vector.shape_cast %get3A_1189 : vector<16xi32> to vector<16xi32>
        %mul3A_1191 = arith.constant 256 : i32
        %mul3A_1192 = vector.broadcast %mul3A_1191 : i32 to vector<16xi32>
        %mul3A_1193 = arith.muli %get3A_1190, %mul3A_1192 : vector<16xi32>
        %get3A_1194 = arith.constant 336 : index
        %get3A_1195 = tpu.vector_load %arg12[%get3A_1194] {strides = array<i32>} : memref<400xi32, #tpu.memory_space<vmem>>, vector<16xi32>,
        %get3A_1196 = vector.shape_cast %get3A_1195 : vector<16xi32> to vector<16xi32>
        %add3A_1197 = arith.addi %mul3A_1193, %get3A_1196 : vector<16xi32>
        %swap3A_1198 = arith.constant 336 : index
        %swap3A_1199 = tpu.vector_load %arg14[%swap3A_1198] {strides = array<i32>} : memref<400xi32, #tpu.memory_space<vmem>>, vector<16xi32>,
        %swap3A_1200 = vector.shape_cast %swap3A_1199 : vector<16xi32> to vector<16xi32>
        %swap3A_1201 = vector.shape_cast %add3A_1197 : vector<16xi32> to vector<16xi32>
        tpu.vector_store %arg14[%swap3A_1198], %swap3A_1201 {strides = array<i32>} : memref<400xi32, #tpu.memory_space<vmem>>, vector<16xi32>,
        %get3A_1202 = arith.constant 352 : index
        %get3A_1203 = tpu.vector_load %arg10[%get3A_1202] {strides = array<i32>} : memref<400xi32, #tpu.memory_space<vmem>>, vector<16xi32>,
        %get3A_1204 = vector.shape_cast %get3A_1203 : vector<16xi32> to vector<16xi32>
        %mul3A_1205 = arith.constant 256 : i32
        %mul3A_1206 = vector.broadcast %mul3A_1205 : i32 to vector<16xi32>
        %mul3A_1207 = arith.muli %get3A_1204, %mul3A_1206 : vector<16xi32>
        %get3A_1208 = arith.constant 352 : index
        %get3A_1209 = tpu.vector_load %arg12[%get3A_1208] {strides = array<i32>} : memref<400xi32, #tpu.memory_space<vmem>>, vector<16xi32>,
        %get3A_1210 = vector.shape_cast %get3A_1209 : vector<16xi32> to vector<16xi32>
        %add3A_1211 = arith.addi %mul3A_1207, %get3A_1210 : vector<16xi32>
        %swap3A_1212 = arith.constant 352 : index
        %swap3A_1213 = tpu.vector_load %arg14[%swap3A_1212] {strides = array<i32>} : memref<400xi32, #tpu.memory_space<vmem>>, vector<16xi32>,
        %swap3A_1214 = vector.shape_cast %swap3A_1213 : vector<16xi32> to vector<16xi32>
        %swap3A_1215 = vector.shape_cast %add3A_1211 : vector<16xi32> to vector<16xi32>
        tpu.vector_store %arg14[%swap3A_1212], %swap3A_1215 {strides = array<i32>} : memref<400xi32, #tpu.memory_space<vmem>>, vector<16xi32>,
        %get3A_1216 = arith.constant 368 : index
        %get3A_1217 = tpu.vector_load %arg10[%get3A_1216] {strides = array<i32>} : memref<400xi32, #tpu.memory_space<vmem>>, vector<16xi32>,
        %get3A_1218 = vector.shape_cast %get3A_1217 : vector<16xi32> to vector<16xi32>
        %mul3A_1219 = arith.constant 256 : i32
        %mul3A_1220 = vector.broadcast %mul3A_1219 : i32 to vector<16xi32>
        %mul3A_1221 = arith.muli %get3A_1218, %mul3A_1220 : vector<16xi32>
        %get3A_1222 = arith.constant 368 : index
        %get3A_1223 = tpu.vector_load %arg12[%get3A_1222] {strides = array<i32>} : memref<400xi32, #tpu.memory_space<vmem>>, vector<16xi32>,
        %get3A_1224 = vector.shape_cast %get3A_1223 : vector<16xi32> to vector<16xi32>
        %add3A_1225 = arith.addi %mul3A_1221, %get3A_1224 : vector<16xi32>
        %swap3A_1226 = arith.constant 368 : index
        %swap3A_1227 = tpu.vector_load %arg14[%swap3A_1226] {strides = array<i32>} : memref<400xi32, #tpu.memory_space<vmem>>, vector<16xi32>,
        %swap3A_1228 = vector.shape_cast %swap3A_1227 : vector<16xi32> to vector<16xi32>
        %swap3A_1229 = vector.shape_cast %add3A_1225 : vector<16xi32> to vector<16xi32>
        tpu.vector_store %arg14[%swap3A_1226], %swap3A_1229 {strides = array<i32>} : memref<400xi32, #tpu.memory_space<vmem>>, vector<16xi32>,
        %get3A_1230 = arith.constant 384 : index
        %get3A_1231 = tpu.vector_load %arg10[%get3A_1230] {strides = array<i32>} : memref<400xi32, #tpu.memory_space<vmem>>, vector<16xi32>,
        %get3A_1232 = vector.shape_cast %get3A_1231 : vector<16xi32> to vector<16xi32>
        %mul3A_1233 = arith.constant 256 : i32
        %mul3A_1234 = vector.broadcast %mul3A_1233 : i32 to vector<16xi32>
        %mul3A_1235 = arith.muli %get3A_1232, %mul3A_1234 : vector<16xi32>
        %get3A_1236 = arith.constant 384 : index
        %get3A_1237 = tpu.vector_load %arg12[%get3A_1236] {strides = array<i32>} : memref<400xi32, #tpu.memory_space<vmem>>, vector<16xi32>,
        %get3A_1238 = vector.shape_cast %get3A_1237 : vector<16xi32> to vector<16xi32>
        %add3A_1239 = arith.addi %mul3A_1235, %get3A_1238 : vector<16xi32>
        %swap3A_1240 = arith.constant 384 : index
        %swap3A_1241 = tpu.vector_load %arg14[%swap3A_1240] {strides = array<i32>} : memref<400xi32, #tpu.memory_space<vmem>>, vector<16xi32>,
        %swap3A_1242 = vector.shape_cast %swap3A_1241 : vector<16xi32> to vector<16xi32>
        %swap3A_1243 = vector.shape_cast %add3A_1239 : vector<16xi32> to vector<16xi32>
        tpu.vector_store %arg14[%swap3A_1240], %swap3A_1243 {strides = array<i32>} : memref<400xi32, #tpu.memory_space<vmem>>, vector<16xi32>,
        %dma_start3A_1244 = arith.constant 0 : i32
        %dma_start3A_1245 = arith.constant 0 : i32
        %dma_start3A_1246 = tpu.memref_slice %arg16[%dma_start3A_1244, %dma_start3A_1245] : memref<400x64xf32, #tpu.memory_space<vmem>> -> memref<128x64xf32, #tpu.memory_space<vmem>>
        %dma_start3A_1247 = arith.constant 0 : i32
        %dma_start3A_1248 = tpu.memref_slice %arg8[%dma_start3A_1247] : memref<400xi32, #tpu.memory_space<vmem>> -> memref<128xi32, #tpu.memory_space<vmem>>
        %dma_start3A_1249 = arith.constant 0 : i32
        %dma_start3A_1250 = arith.constant 0 : i32
        %dma_start3A_1251 = tpu.memref_slice %arg5[%dma_start3A_1249, %dma_start3A_1250] : memref<100008x64xf32, #tpu.memory_space<hbm>> -> memref<100008x64xf32, #tpu.memory_space<hbm>>
        tpu.enqueue_indirect_dma source(%dma_start3A_1251 : memref<100008x64xf32, #tpu.memory_space<hbm>>) target(%dma_start3A_1246 : memref<128x64xf32, #tpu.memory_space<vmem>>) offsets(%dma_start3A_1248 : memref<128xi32, #tpu.memory_space<vmem>>) semaphore(%arg20 : memref<!tpu.dma_semaphore, #tpu.memory_space<semaphore_mem>>)
        %dma_start3A_1252 = arith.constant 0 : i32
        %dma_start3A_1253 = arith.constant 0 : i32
        %dma_start3A_1254 = tpu.memref_slice %arg18[%dma_start3A_1252, %dma_start3A_1253] : memref<400x64xf32, #tpu.memory_space<vmem>> -> memref<128x64xf32, #tpu.memory_space<vmem>>
        %dma_start3A_1255 = arith.constant 0 : i32
        %dma_start3A_1256 = tpu.memref_slice %arg14[%dma_start3A_1255] : memref<400xi32, #tpu.memory_space<vmem>> -> memref<128xi32, #tpu.memory_space<vmem>>
        %dma_start3A_1257 = arith.constant 0 : i32
        %dma_start3A_1258 = arith.constant 0 : i32
        %dma_start3A_1259 = tpu.memref_slice %arg6[%dma_start3A_1257, %dma_start3A_1258] : memref<2048x64xf32, #tpu.memory_space<hbm>> -> memref<2048x64xf32, #tpu.memory_space<hbm>>
        tpu.enqueue_indirect_dma source(%dma_start3A_1259 : memref<2048x64xf32, #tpu.memory_space<hbm>>) target(%dma_start3A_1254 : memref<128x64xf32, #tpu.memory_space<vmem>>) offsets(%dma_start3A_1256 : memref<128xi32, #tpu.memory_space<vmem>>) semaphore(%arg20 : memref<!tpu.dma_semaphore, #tpu.memory_space<semaphore_mem>>)
        %dma_start3A_1260 = arith.constant 128 : i32
        %dma_start3A_1261 = arith.constant 0 : i32
        %dma_start3A_1262 = tpu.memref_slice %arg16[%dma_start3A_1260, %dma_start3A_1261] : memref<400x64xf32, #tpu.memory_space<vmem>> -> memref<128x64xf32, #tpu.memory_space<vmem>>
        %dma_start3A_1263 = arith.constant 128 : i32
        %dma_start3A_1264 = tpu.memref_slice %arg8[%dma_start3A_1263] : memref<400xi32, #tpu.memory_space<vmem>> -> memref<128xi32, #tpu.memory_space<vmem>>
        %dma_start3A_1265 = arith.constant 0 : i32
        %dma_start3A_1266 = arith.constant 0 : i32
        %dma_start3A_1267 = tpu.memref_slice %arg5[%dma_start3A_1265, %dma_start3A_1266] : memref<100008x64xf32, #tpu.memory_space<hbm>> -> memref<100008x64xf32, #tpu.memory_space<hbm>>
        tpu.enqueue_indirect_dma source(%dma_start3A_1267 : memref<100008x64xf32, #tpu.memory_space<hbm>>) target(%dma_start3A_1262 : memref<128x64xf32, #tpu.memory_space<vmem>>) offsets(%dma_start3A_1264 : memref<128xi32, #tpu.memory_space<vmem>>) semaphore(%arg20 : memref<!tpu.dma_semaphore, #tpu.memory_space<semaphore_mem>>)
        %dma_start3A_1268 = arith.constant 128 : i32
        %dma_start3A_1269 = arith.constant 0 : i32
        %dma_start3A_1270 = tpu.memref_slice %arg18[%dma_start3A_1268, %dma_start3A_1269] : memref<400x64xf32, #tpu.memory_space<vmem>> -> memref<128x64xf32, #tpu.memory_space<vmem>>
        %dma_start3A_1271 = arith.constant 128 : i32
        %dma_start3A_1272 = tpu.memref_slice %arg14[%dma_start3A_1271] : memref<400xi32, #tpu.memory_space<vmem>> -> memref<128xi32, #tpu.memory_space<vmem>>
        %dma_start3A_1273 = arith.constant 0 : i32
        %dma_start3A_1274 = arith.constant 0 : i32
        %dma_start3A_1275 = tpu.memref_slice %arg6[%dma_start3A_1273, %dma_start3A_1274] : memref<2048x64xf32, #tpu.memory_space<hbm>> -> memref<2048x64xf32, #tpu.memory_space<hbm>>
        tpu.enqueue_indirect_dma source(%dma_start3A_1275 : memref<2048x64xf32, #tpu.memory_space<hbm>>) target(%dma_start3A_1270 : memref<128x64xf32, #tpu.memory_space<vmem>>) offsets(%dma_start3A_1272 : memref<128xi32, #tpu.memory_space<vmem>>) semaphore(%arg20 : memref<!tpu.dma_semaphore, #tpu.memory_space<semaphore_mem>>)
        %dma_start3A_1276 = arith.constant 256 : i32
        %dma_start3A_1277 = arith.constant 0 : i32
        %dma_start3A_1278 = tpu.memref_slice %arg16[%dma_start3A_1276, %dma_start3A_1277] : memref<400x64xf32, #tpu.memory_space<vmem>> -> memref<128x64xf32, #tpu.memory_space<vmem>>
        %dma_start3A_1279 = arith.constant 256 : i32
        %dma_start3A_1280 = tpu.memref_slice %arg8[%dma_start3A_1279] : memref<400xi32, #tpu.memory_space<vmem>> -> memref<128xi32, #tpu.memory_space<vmem>>
        %dma_start3A_1281 = arith.constant 0 : i32
        %dma_start3A_1282 = arith.constant 0 : i32
        %dma_start3A_1283 = tpu.memref_slice %arg5[%dma_start3A_1281, %dma_start3A_1282] : memref<100008x64xf32, #tpu.memory_space<hbm>> -> memref<100008x64xf32, #tpu.memory_space<hbm>>
        tpu.enqueue_indirect_dma source(%dma_start3A_1283 : memref<100008x64xf32, #tpu.memory_space<hbm>>) target(%dma_start3A_1278 : memref<128x64xf32, #tpu.memory_space<vmem>>) offsets(%dma_start3A_1280 : memref<128xi32, #tpu.memory_space<vmem>>) semaphore(%arg20 : memref<!tpu.dma_semaphore, #tpu.memory_space<semaphore_mem>>)
        %dma_start3A_1284 = arith.constant 256 : i32
        %dma_start3A_1285 = arith.constant 0 : i32
        %dma_start3A_1286 = tpu.memref_slice %arg18[%dma_start3A_1284, %dma_start3A_1285] : memref<400x64xf32, #tpu.memory_space<vmem>> -> memref<128x64xf32, #tpu.memory_space<vmem>>
        %dma_start3A_1287 = arith.constant 256 : i32
        %dma_start3A_1288 = tpu.memref_slice %arg14[%dma_start3A_1287] : memref<400xi32, #tpu.memory_space<vmem>> -> memref<128xi32, #tpu.memory_space<vmem>>
        %dma_start3A_1289 = arith.constant 0 : i32
        %dma_start3A_1290 = arith.constant 0 : i32
        %dma_start3A_1291 = tpu.memref_slice %arg6[%dma_start3A_1289, %dma_start3A_1290] : memref<2048x64xf32, #tpu.memory_space<hbm>> -> memref<2048x64xf32, #tpu.memory_space<hbm>>
        tpu.enqueue_indirect_dma source(%dma_start3A_1291 : memref<2048x64xf32, #tpu.memory_space<hbm>>) target(%dma_start3A_1286 : memref<128x64xf32, #tpu.memory_space<vmem>>) offsets(%dma_start3A_1288 : memref<128xi32, #tpu.memory_space<vmem>>) semaphore(%arg20 : memref<!tpu.dma_semaphore, #tpu.memory_space<semaphore_mem>>)
        %dma_start3A_1292 = arith.constant 384 : i32
        %dma_start3A_1293 = arith.constant 0 : i32
        %dma_start3A_1294 = tpu.memref_slice %arg16[%dma_start3A_1292, %dma_start3A_1293] : memref<400x64xf32, #tpu.memory_space<vmem>> -> memref<16x64xf32, #tpu.memory_space<vmem>>
        %dma_start3A_1295 = arith.constant 384 : i32
        %dma_start3A_1296 = tpu.memref_slice %arg8[%dma_start3A_1295] : memref<400xi32, #tpu.memory_space<vmem>> -> memref<16xi32, #tpu.memory_space<vmem>>
        %dma_start3A_1297 = arith.constant 0 : i32
        %dma_start3A_1298 = arith.constant 0 : i32
        %dma_start3A_1299 = tpu.memref_slice %arg5[%dma_start3A_1297, %dma_start3A_1298] : memref<100008x64xf32, #tpu.memory_space<hbm>> -> memref<100008x64xf32, #tpu.memory_space<hbm>>
        tpu.enqueue_indirect_dma source(%dma_start3A_1299 : memref<100008x64xf32, #tpu.memory_space<hbm>>) target(%dma_start3A_1294 : memref<16x64xf32, #tpu.memory_space<vmem>>) offsets(%dma_start3A_1296 : memref<16xi32, #tpu.memory_space<vmem>>) semaphore(%arg20 : memref<!tpu.dma_semaphore, #tpu.memory_space<semaphore_mem>>)
        %dma_start3A_1300 = arith.constant 384 : i32
        %dma_start3A_1301 = arith.constant 0 : i32
        %dma_start3A_1302 = tpu.memref_slice %arg18[%dma_start3A_1300, %dma_start3A_1301] : memref<400x64xf32, #tpu.memory_space<vmem>> -> memref<16x64xf32, #tpu.memory_space<vmem>>
        %dma_start3A_1303 = arith.constant 384 : i32
        %dma_start3A_1304 = tpu.memref_slice %arg14[%dma_start3A_1303] : memref<400xi32, #tpu.memory_space<vmem>> -> memref<16xi32, #tpu.memory_space<vmem>>
        %dma_start3A_1305 = arith.constant 0 : i32
        %dma_start3A_1306 = arith.constant 0 : i32
        %dma_start3A_1307 = tpu.memref_slice %arg6[%dma_start3A_1305, %dma_start3A_1306] : memref<2048x64xf32, #tpu.memory_space<hbm>> -> memref<2048x64xf32, #tpu.memory_space<hbm>>
        tpu.enqueue_indirect_dma source(%dma_start3A_1307 : memref<2048x64xf32, #tpu.memory_space<hbm>>) target(%dma_start3A_1302 : memref<16x64xf32, #tpu.memory_space<vmem>>) offsets(%dma_start3A_1304 : memref<16xi32, #tpu.memory_space<vmem>>) semaphore(%arg20 : memref<!tpu.dma_semaphore, #tpu.memory_space<semaphore_mem>>)
      } else {
      }
      %dma_wait3A_867 = arith.constant 0 : i32
      %dma_wait3A_868 = arith.constant 0 : i32
      %dma_wait3A_869 = tpu.memref_slice %arg5[%dma_wait3A_867, %dma_wait3A_868] : memref<100008x64xf32, #tpu.memory_space<hbm>> -> memref<400x64xf32, #tpu.memory_space<hbm>>
      %dma_wait3A_870 = arith.constant 0 : i32
      %dma_wait3A_871 = arith.constant 0 : i32
      %dma_wait3A_872 = tpu.memref_slice %arg5[%dma_wait3A_870, %dma_wait3A_871] : memref<100008x64xf32, #tpu.memory_space<hbm>> -> memref<400x64xf32, #tpu.memory_space<hbm>>
      tpu.wait_dma2 semaphore(%arg21 : memref<!tpu.dma_semaphore, #tpu.memory_space<semaphore_mem>>) src(%dma_wait3A_872 : memref<400x64xf32, #tpu.memory_space<hbm>>) dst(%arg17 : memref<400x64xf32, #tpu.memory_space<vmem>>)
      %dma_wait3A_873 = arith.constant 0 : i32
      %dma_wait3A_874 = arith.constant 0 : i32
      %dma_wait3A_875 = tpu.memref_slice %arg6[%dma_wait3A_873, %dma_wait3A_874] : memref<2048x64xf32, #tpu.memory_space<hbm>> -> memref<400x64xf32, #tpu.memory_space<hbm>>
      %dma_wait3A_876 = arith.constant 0 : i32
      %dma_wait3A_877 = arith.constant 0 : i32
      %dma_wait3A_878 = tpu.memref_slice %arg6[%dma_wait3A_876, %dma_wait3A_877] : memref<2048x64xf32, #tpu.memory_space<hbm>> -> memref<400x64xf32, #tpu.memory_space<hbm>>
      tpu.wait_dma2 semaphore(%arg21 : memref<!tpu.dma_semaphore, #tpu.memory_space<semaphore_mem>>) src(%dma_wait3A_878 : memref<400x64xf32, #tpu.memory_space<hbm>>) dst(%arg19 : memref<400x64xf32, #tpu.memory_space<vmem>>)
      %add3A_879 = arith.constant 1 : i32
      %add3A_880 = arith.addi %mul3A_424, %add3A_879 : i32
      %mul3A_881 = arith.constant 400 : i32
      %mul3A_882 = arith.muli %add3A_880, %mul3A_881 : i32
      %add3A_883 = arith.addi %mul3A_2, %mul3A_882 : i32
      %scan3A_884 = arith.constant 0 : i32
      %scan3A_885 = arith.constant 400 : i32
      %scan3A_886 = arith.addi %scan3A_884, %scan3A_885 : i32
      %scan3A_887 = arith.constant 1 : i32
      scf.for %scan3A_889 = %scan3A_884 to %scan3A_886 step %scan3A_887  : i32 {
        %mul3A_890 = arith.constant 1 : i32
        %mul3A_891 = arith.muli %scan3A_889, %mul3A_890 : i32
        %add3A_892 = arith.constant 0 : i32
        %add3A_893 = arith.addi %add3A_892, %mul3A_891 : i32
        %get3A_894 = arith.index_cast %add3A_893 : i32 to index
        %get3A_895 = arith.constant 0 : index
        %get3A_896 = tpu.vector_load %arg19[%get3A_894, %get3A_895] {strides = array<i32>} : memref<400x64xf32, #tpu.memory_space<vmem>>, vector<1x16xf32>,
        %get3A_897 = vector.shape_cast %get3A_896 : vector<1x16xf32> to vector<16xf32>
        %swap3A_898 = arith.index_cast %add3A_893 : i32 to index
        %swap3A_899 = arith.constant 0 : index
        %swap3A_900 = tpu.vector_load %arg17[%swap3A_898, %swap3A_899] {strides = array<i32>} : memref<400x64xf32, #tpu.memory_space<vmem>>, vector<1x16xf32>,
        %swap3A_901 = vector.shape_cast %swap3A_900 : vector<1x16xf32> to vector<16xf32>
        %swap3A_902 = vector.shape_cast %get3A_897 : vector<16xf32> to vector<1x16xf32>
        tpu.vector_store %arg17[%swap3A_898, %swap3A_899], %swap3A_902 {add = true, strides = array<i32>} : memref<400x64xf32, #tpu.memory_space<vmem>>, vector<1x16xf32>,
        %get3A_903 = arith.index_cast %add3A_893 : i32 to index
        %get3A_904 = arith.constant 16 : index
        %get3A_905 = tpu.vector_load %arg19[%get3A_903, %get3A_904] {strides = array<i32>} : memref<400x64xf32, #tpu.memory_space<vmem>>, vector<1x16xf32>,
        %get3A_906 = vector.shape_cast %get3A_905 : vector<1x16xf32> to vector<16xf32>
        %swap3A_907 = arith.index_cast %add3A_893 : i32 to index
        %swap3A_908 = arith.constant 16 : index
        %swap3A_909 = tpu.vector_load %arg17[%swap3A_907, %swap3A_908] {strides = array<i32>} : memref<400x64xf32, #tpu.memory_space<vmem>>, vector<1x16xf32>,
        %swap3A_910 = vector.shape_cast %swap3A_909 : vector<1x16xf32> to vector<16xf32>
        %swap3A_911 = vector.shape_cast %get3A_906 : vector<16xf32> to vector<1x16xf32>
        tpu.vector_store %arg17[%swap3A_907, %swap3A_908], %swap3A_911 {add = true, strides = array<i32>} : memref<400x64xf32, #tpu.memory_space<vmem>>, vector<1x16xf32>,
        %get3A_912 = arith.index_cast %add3A_893 : i32 to index
        %get3A_913 = arith.constant 32 : index
        %get3A_914 = tpu.vector_load %arg19[%get3A_912, %get3A_913] {strides = array<i32>} : memref<400x64xf32, #tpu.memory_space<vmem>>, vector<1x16xf32>,
        %get3A_915 = vector.shape_cast %get3A_914 : vector<1x16xf32> to vector<16xf32>
        %swap3A_916 = arith.index_cast %add3A_893 : i32 to index
        %swap3A_917 = arith.constant 32 : index
        %swap3A_918 = tpu.vector_load %arg17[%swap3A_916, %swap3A_917] {strides = array<i32>} : memref<400x64xf32, #tpu.memory_space<vmem>>, vector<1x16xf32>,
        %swap3A_919 = vector.shape_cast %swap3A_918 : vector<1x16xf32> to vector<16xf32>
        %swap3A_920 = vector.shape_cast %get3A_915 : vector<16xf32> to vector<1x16xf32>
        tpu.vector_store %arg17[%swap3A_916, %swap3A_917], %swap3A_920 {add = true, strides = array<i32>} : memref<400x64xf32, #tpu.memory_space<vmem>>, vector<1x16xf32>,
        %get3A_921 = arith.index_cast %add3A_893 : i32 to index
        %get3A_922 = arith.constant 48 : index
        %get3A_923 = tpu.vector_load %arg19[%get3A_921, %get3A_922] {strides = array<i32>} : memref<400x64xf32, #tpu.memory_space<vmem>>, vector<1x16xf32>,
        %get3A_924 = vector.shape_cast %get3A_923 : vector<1x16xf32> to vector<16xf32>
        %swap3A_925 = arith.index_cast %add3A_893 : i32 to index
        %swap3A_926 = arith.constant 48 : index
        %swap3A_927 = tpu.vector_load %arg17[%swap3A_925, %swap3A_926] {strides = array<i32>} : memref<400x64xf32, #tpu.memory_space<vmem>>, vector<1x16xf32>,
        %swap3A_928 = vector.shape_cast %swap3A_927 : vector<1x16xf32> to vector<16xf32>
        %swap3A_929 = vector.shape_cast %get3A_924 : vector<16xf32> to vector<1x16xf32>
        tpu.vector_store %arg17[%swap3A_925, %swap3A_926], %swap3A_929 {add = true, strides = array<i32>} : memref<400x64xf32, #tpu.memory_space<vmem>>, vector<1x16xf32>,
      }
      %scan3A_888 = arith.constant 400 : i32
      "tpu.region"() ({
        %run_scoped3A = tpu.sem_alloc : memref<!tpu.dma_semaphore, #tpu.memory_space<semaphore_mem>>
        %dma_start3A_889 = arith.constant 0 : i32
        %dma_start3A_890 = tpu.memref_slice %arg7[%add3A_883, %dma_start3A_889] : memref<819200x64xf32, #tpu.memory_space<hbm>> -> memref<400x64xf32, #tpu.memory_space<hbm>>
        %dma_start3A_891 = arith.constant 0 : i32
        %dma_start3A_892 = tpu.memref_slice %arg7[%add3A_883, %dma_start3A_891] : memref<819200x64xf32, #tpu.memory_space<hbm>> -> memref<400x64xf32, #tpu.memory_space<hbm>>
        tpu.enqueue_dma source(%arg17 : memref<400x64xf32, #tpu.memory_space<vmem>>) target(%dma_start3A_892 : memref<400x64xf32, #tpu.memory_space<hbm>>) target_semaphore(%run_scoped3A : memref<!tpu.dma_semaphore, #tpu.memory_space<semaphore_mem>>)
        %dma_wait3A_893 = arith.constant 0 : i32
        %dma_wait3A_894 = tpu.memref_slice %arg7[%add3A_883, %dma_wait3A_893] : memref<819200x64xf32, #tpu.memory_space<hbm>> -> memref<400x64xf32, #tpu.memory_space<hbm>>
        %dma_wait3A_895 = arith.constant 0 : i32
        %dma_wait3A_896 = tpu.memref_slice %arg7[%add3A_883, %dma_wait3A_895] : memref<819200x64xf32, #tpu.memory_space<hbm>> -> memref<400x64xf32, #tpu.memory_space<hbm>>
        tpu.wait_dma2 semaphore(%run_scoped3A : memref<!tpu.dma_semaphore, #tpu.memory_space<semaphore_mem>>) src(%arg17 : memref<400x64xf32, #tpu.memory_space<vmem>>) dst(%dma_wait3A_896 : memref<400x64xf32, #tpu.memory_space<hbm>>)
        tpu.yield
      }) : () -> ()
    }
    %scan3A_417 = arith.constant 32 : i32
    return
  }
}

module attributes {stable_mosaic.version = 14 : i64} {
  func.func @_comb_body(%arg0: memref<8x64xf32, #tpu.memory_space<vmem>>, %arg1: memref<256x64xf32, #tpu.memory_space<vmem>>, %arg2: memref<8x256x64xf32, #tpu.memory_space<vmem>>) attributes {dimension_semantics = [], scalar_prefetch = 0 : i64, scratch_operands = 0 : i64, tpu.core_type = #tpu.core_type<tc>} {
    %get3A = arith.constant 0 : index
    %get3A_0 = arith.constant 0 : index
    %get3A_1 = vector.load %arg0[%get3A, %get3A_0] : memref<8x64xf32, #tpu.memory_space<vmem>>, vector<8x64xf32>
    %broadcast_in_dim3A = vector.shape_cast %get3A_1 : vector<8x64xf32> to vector<8x1x64xf32>
    %get3A_2 = arith.constant 0 : index
    %get3A_3 = arith.constant 0 : index
    %get3A_4 = vector.load %arg1[%get3A_2, %get3A_3] : memref<256x64xf32, #tpu.memory_space<vmem>>, vector<256x64xf32>
    %broadcast_in_dim3A_5 = vector.shape_cast %get3A_4 : vector<256x64xf32> to vector<1x256x64xf32>
    %add3A = vector.broadcast %broadcast_in_dim3A : vector<8x1x64xf32> to vector<8x256x64xf32>
    %add3A_6 = vector.broadcast %broadcast_in_dim3A_5 : vector<1x256x64xf32> to vector<8x256x64xf32>
    %add3A_7 = arith.addf %add3A, %add3A_6 : vector<8x256x64xf32>
    %swap3A = arith.constant 0 : index
    %swap3A_8 = arith.constant 0 : index
    %swap3A_9 = arith.constant 0 : index
    %swap3A_10 = vector.load %arg2[%swap3A, %swap3A_8, %swap3A_9] : memref<8x256x64xf32, #tpu.memory_space<vmem>>, vector<8x256x64xf32>
    tpu.vector_store %arg2[%swap3A, %swap3A_8, %swap3A_9], %add3A_7 {strides = array<i32>} : memref<8x256x64xf32, #tpu.memory_space<vmem>>, vector<8x256x64xf32>,
    return
  }
}

</mosaic_0001>

<sc_bundles>
// kernel: kernel.4.cloned.1.call-start
scs
__scs_entry_jumppad:
0x0: {  	(pc) =	sbr.rel $0x88, $3  }
0x1: {  	(tag) =	ssettag $0x0;
	lr =	simm.s32 $0x1  }
0x2: {  	[smem:$0x3F9B] =	sst lr;
	_ =	strace $0xD0000000  }
0x3: {  	_ = 	snop  }
0x4: {  	_ = 	snop  }
0x5: {  	_ = 	snop  }
0x6: {  	_ = 	snop  }
0x7: {  	_ = 	snop  }
__scs_overlays_trampoline_lowered:
0x8: {  	[smem:$0x3FAA] =	sst s0  }
0x9: {  	[smem:$0x3FAB] =	sst s1  }
0xa: {  	[smem:$0x3FAC] =	sst s2  }
0xb: {  	[smem:$0x3FAD] =	sst s3  }
0xc: {  	[smem:$0x3FAE] =	sst s4  }
0xd: {  	[smem:$0x3FAF] =	sst s5  }
0xe: {  	[smem:$0x3FB0] =	sst s6  }
0xf: {  	[smem:$0x3FB1] =	sst s7  }
0x10: {  	[smem:$0x3FB2] =	sst s8  }
0x11: {  	[smem:$0x3FB3] =	sst s9;
	s0 =	simm.s32 @!p0 $0x0  }
0x12: {  	s1 =	sld [smem:$0x3F99];
	s0 =	simm.s32 @p0 $0x1  }
0x13: {  	[smem:$0x3FB4] =	sst s0;
	s0 =	simm.s32 @!p1 $0x0  }
0x14: {  	s2 =	sld [smem:$0x3F98];
	s0 =	simm.s32 @p1 $0x1  }
0x15: {  	[smem:$0x3FB5] =	sst s0;
	s0 =	simm.s32 @!p2 $0x0  }
0x16: {  	s3 =	sld [smem:$0x3FDB];
	s0 =	simm.s32 @p2 $0x1  }
0x17: {  	s4 =	simm.s32 $0x1BF5;
	[smem:$0x3FB7] =	sst s0  }
0x18: {  	s0 =	sld [smem:$0x3F9A];
	_ =	swait.ge [sflag:s4], $0x0  }
0x19: {  	s7 =	sld [smem:$0x3F9B]  }
0x1a: {  	s8 =	sadd.s32 $0xFFFFE003, lr  }
0x1b: {  	s9 =	sadd.s32 $0xFFFFFEF7, lr;
	s5 =	simm.s32 $0xFFFFFFFF;
	p2 =	slt.u32 s8, $0xFFFFF086  }
0x1c: {  	p1 =	slt.u32 s9, $0xF7A;
	s5 =	simm.s32 @!p2 $0x0  }
0x1d: {  	s5 =	simm.s32 @p1 $0x1;
	p0 =	seq.s32 s7, s2  }
0x1e: {  	s7 =	smul.u32 @!p0 $0xF7A, s2;
	p2 =	seq.s32 @!p0 s5, $0x0  }
0x1f: {  	s9 =	smul.u32 $0xF7A, s1;
	s8 =	simm.s32 @!p0 $0x1BF5;
	p2 =	por !p2, p0  }
0x20: {  	[sflag:s8] =	ssyncset.s32 @!p0 $0xFFFFF086;
	s6 =	sadd.s32 @!p0 s3, s7;
	s7 =	simm.s32 @!p0 $0x108  }
0x21: {  	s3 =	sadd.s32 s3, s9;
	s6 =	sadd.s32 @!p0 $0x88, s6;
	s7 =	simm.s32 @p2 $0x1082  }
0x22: {  	[simem:s7], [sflag:s8] =	dma.local @!p0 [hbm:s6], $0xF7A  }
0x23: {  	s9 =	sor.u32 $0xD0000000, s2;
	s6 =	simm.s32 $0x108;
	_ =	swait.ge @!p0 [sflag:s8], $0x0  }
0x24: {  	s3 =	sadd.s32 $0x88, s3;
	s6 =	simm.s32 @!p1 $0x1082;
	[sflag:s4] =	ssyncset.s32 $0xFFFFF086  }
0x25: {  	[simem:s6], [sflag:s4] =	dma.local [hbm:s3], $0xF7A  }
0x26: {  	[smem:$0x3F9B] =	sst s1;
	(tag) =	ssettag s2;
	_ =	strace s9  }
0x27: {  	s1 =	sld [smem:$0x3FAB]  }
0x28: {  	s2 =	sld [smem:$0x3FAC]  }
0x29: {  	s4 =	sld [smem:$0x3FAE]  }
0x2a: {  	p0 =	seq.s32 s5, $0x0;
	s5 =	sld [smem:$0x3FAF]  }
0x2b: {  	s6 =	sld [smem:$0x3FB0]  }
0x2c: {  	s7 =	sld [smem:$0x3FB1]  }
0x2d: {  	s3 =	simm.s32 $0x108;
	s8 =	sld [smem:$0x3FB2]  }
0x2e: {  	s3 =	simm.s32 @!p0 $0x1082;
	s9 =	sld [smem:$0x3FB3]  }
0x2f: {  	lr =	sadd.s32 s0, s3;
	s0 =	sld [smem:$0x3FAA]  }
0x30: {  	s3 =	sld [smem:$0x3FAD]  }
0x31: {  	[smem:$0x3FB6] =	sst s10  }
0x32: {  	s10 =	sld [smem:$0x3FB4];
	_ =	sdelay $0x3  }
0x33: {  	p0 =	seq.s32 s10, $0x1;
	s10 =	sld [smem:$0x3FB6];
	_ =	sdelay $0x3  }
0x34: {  	[smem:$0x3FB6] =	sst s10  }
0x35: {  	s10 =	sld [smem:$0x3FB5];
	_ =	sdelay $0x3  }
0x36: {  	p1 =	seq.s32 s10, $0x1;
	s10 =	sld [smem:$0x3FB6];
	_ =	sdelay $0x3  }
0x37: {  	[smem:$0x3FB6] =	sst s10  }
0x38: {  	s10 =	sld [smem:$0x3FB7]  }
0x39: {  	_ = 	snop;
	(pc) =	sbr.ind lr, $3  }
0x3a: {  	_ = 	snop  }
0x3b: {  	_ = 	snop  }
0x3c: {  	p2 =	seq.s32 s10, $0x1;
	s10 =	sld [smem:$0x3FB6]  }
0x3d: {  	_ =	shalt  }
0x3e: {  	_ =	shalt  }
0x3f: {  	_ =	shalt  }
0x40: {  	_ =	shalt  }
0x41: {  	_ =	shalt  }
0x42: {  	_ =	shalt  }
0x43: {  	_ =	shalt  }
0x44: {  	_ =	shalt  }
0x45: {  	_ =	shalt  }
0x46: {  	_ =	shalt  }
0x47: {  	_ =	shalt  }
0x48: {  	_ =	shalt  }
0x49: {  	_ =	shalt  }
0x4a: {  	_ =	shalt  }
0x4b: {  	_ =	shalt  }
0x4c: {  	_ =	shalt  }
0x4d: {  	_ =	shalt  }
0x4e: {  	_ =	shalt  }
0x4f: {  	_ =	shalt  }
0x50: {  	_ =	shalt  }
0x51: {  	_ =	shalt  }
0x52: {  	_ =	shalt  }
0x53: {  	_ =	shalt  }
0x54: {  	_ =	shalt  }
0x55: {  	_ =	shalt  }
0x56: {  	_ =	shalt  }
0x57: {  	_ =	shalt  }
0x58: {  	_ =	shalt  }
0x59: {  	_ =	shalt  }
0x5a: {  	_ =	shalt  }
0x5b: {  	_ =	shalt  }
0x5c: {  	_ =	shalt  }
0x5d: {  	_ =	shalt  }
0x5e: {  	_ =	shalt  }
0x5f: {  	_ =	shalt  }
0x60: {  	_ =	shalt  }
0x61: {  	_ =	shalt  }
0x62: {  	_ =	shalt  }
0x63: {  	_ =	shalt  }
0x64: {  	_ =	shalt  }
0x65: {  	_ =	shalt  }
0x66: {  	_ =	shalt  }
0x67: {  	_ =	shalt  }
0x68: {  	_ =	shalt  }
0x69: {  	_ =	shalt  }
0x6a: {  	_ =	shalt  }
0x6b: {  	_ =	shalt  }
0x6c: {  	_ =	shalt  }
0x6d: {  	_ =	shalt  }
0x6e: {  	_ =	shalt  }
0x6f: {  	_ =	shalt  }
0x70: {  	_ =	shalt  }
0x71: {  	_ =	shalt  }
0x72: {  	_ =	shalt  }
0x73: {  	_ =	shalt  }
0x74: {  	_ =	shalt  }
0x75: {  	_ =	shalt  }
0x76: {  	_ =	shalt  }
0x77: {  	_ =	shalt  }
0x78: {  	_ =	shalt  }
0x79: {  	_ =	shalt  }
0x7a: {  	_ =	shalt  }
0x7b: {  	_ =	shalt  }
0x7c: {  	_ =	shalt  }
0x7d: {  	_ =	shalt  }
0x7e: {  	_ =	shalt  }
0x7f: {  	_ =	shalt  }
0x80: {  	_ =	shalt  }
0x81: {  	_ =	shalt  }
0x82: {  	_ =	shalt  }
0x83: {  	_ =	shalt  }
0x84: {  	_ =	shalt  }
0x85: {  	_ =	shalt  }
0x86: {  	_ =	shalt  }
0x87: {  	_ =	shalt  }
.Lfunc_end0:
.L_simem_size_0:
called_computation.1_lowered:
.L_overlay_start_0:
0x88: {  	s2 =	sld [smem:$0x3FD9]  }
0x89: {  	s3 =	sld [smem:$0x3FFE];
	_ =	sdelay $0x1  }
0x8a: {  	s1 =	srdreg.scid  }
0x8b: {  	s0 =	sand.u32 $0x1, s1  }
0x8c: {  	s17 =	sshll.u32 s0, $0xA;
	s2 =	sadd.s32 s3, s2  }
0x8d: {  	s2 =	sadd.s32 s2, s17  }
0x8e: {  	[smem:$0x3FC2] =	sst s2  }
0x8f: {  	_ = 	snop  }
0x90: {  	s2 =	sld [smem:$0x3FD0];
	(tm) =	ssettm $0x1  }
0x91: {  	s18 =	sld [smem:$0x3FFB];
	_ =	sdelay $0x3  }
0x92: {  	_ =	strace s18  }
0x93: {  	s3 =	sld [smem:$0x3FFC];
	_ =	sdelay $0x3  }
0x94: {  	_ =	strace s3  }
0x95: {  	s3 =	sld [smem:$0x3FFD];
	_ =	sdelay $0x3  }
0x96: {  	_ =	strace s3  }
0x97: {  	_ =	strace $0x8FFFFFFF  }
0x98: {  	s19 =	sld [smem:$0x3FDB];
	_ =	sdelay $0x1  }
0x99: {  	s4 =	simm.s32 $_scs_section_size  }
0x9a: {  	s5 =	simm.s32 $_size__tile_overlayer_lowered;
	s6 =	simm.s32 $_tile_overlayer_lowered  }
0x9b: {  	s22 =	simm.s32 $0x1BFF;
	s21 =	sshll.u32 s6, $0x1;
	s3 =	sadd.s32 s4, s19  }
0x9c: {  	s7 =	simm.s32 $0x0;
	s20 =	sshll.u32 s5, $0x1;
	s5 =	sadd.s32 s21, s3  }
0x9d: {  	[timem:s7], [sflag:s22] =	dma.local [hbm:s5], s20  }
0x9e: {  	_ =	swait.ge [sflag:s22], s20  }
0x9f: {  	s4 =	ssub.s32 $0x0, s20;
	[sflag:s22] =	ssyncset.done $0x0  }
0xa0: {  	[sflag:s22] =	ssyncadd.s32 s4;
	_ =	sdelay $0x1  }
0xa1: {  	s23 =	simm.s32 $0x1B8B  }
0xa2: {  	_ =	swait.ge [sflag:s23], $0x1  }
0xa3: {  	[sflag:s23] =	ssyncset.done $0x0  }
0xa4: {  	s25 =	simm.s32 $0x1B8E;
	s24 =	sld [smem:$0x3FFE];
	[sflag:s23] =	ssyncadd.s32 $0xFFFFFFFF  }
0xa5: {  	s26 =	simm.s32 $execute0_lowered;
	[smem:$0x3FD2] =	sst s25  }
0xa6: {  	s5 =	sshll.u32 s26, $0x1;
	_ =	strace $0x80000046;
	[dreg:$0x1] =	wrdreg $0xFFFFFFFF  }
0xa7: {  	s28 =	simm.s32 $_size_execute0_lowered;
	s3 =	sadd.s32 s3, s5;
	[dreg:$0x0] =	wrdreg $0x0  }
0xa8: {  	s5 =	sshll.u32 s28, $0x1;
	[dreg:$0x2] =	wrdreg s3  }
0xa9: {  	[dreg:$0x3] =	wrdreg s5  }
0xaa: {  	[dreg:$0x4] =	wrdreg $0xC0  }
0xab: {  	_ =	task [dreg:s7], $0x5FFFF  }
0xac: {  	[dreg:$0x1] =	wrdreg $0xFFFFFFFF  }
0xad: {  	[dreg:$0x0] =	wrdreg $0x60  }
0xae: {  	[dreg:$0x2] =	wrdreg s24  }
0xaf: {  	[dreg:$0x3] =	wrdreg s2  }
0xb0: {  	[dreg:$0x4] =	wrdreg $0x9  }
0xb1: {  	_ =	task.clear_ibuf [dreg:s7], $0x5FFFF;
	_ =	strace $0x90000046  }
0xb2: {  	s29 =	simm.s32 $0x9;
	_ =	strace $0x80000048  }
0xb3: {  	_ =	swait.ge [sflag:s29], $0x1  }
0xb4: {  	[sflag:s29] =	ssyncadd.s32 $0xFFFFFFFF  }
0xb5: {  	_ =	strace $0x90000048  }
0xb6: {  	_ =	sfence  }
0xb7: {  	s30 =	sld [smem:$0x0];
	_ =	sdelay $0x2  }
0xb8: {  	s31 =	sshll.u32 s1, $0xD;
	s1 =	sshrl.u32 s1, $0x2  }
0xb9: {  	s3 =	sand.u32 $0x4000, s31;
	s1 =	sadd.s32 s1, s30  }
0xba: {  	s0 =	sor.u32 s3, s0;
	s1 =	sshll.u32 s1, $0x11  }
0xbb: {  	s0 =	sor.u32 s1, s0  }
0xbc: {  	s0 =	sadd.s32 $0x8F2B, s0  }
0xbd: {  	[sflag:s0] =	ssyncadd.remote.s32 $0x1  }
0xbe: {  	_ =	sfence.sel $0xFFFF  }
0xbf: {  	[dreg:$0x0] =	wrdreg $0xFFFFFFFF;
	(pc) =	sbr.abs _section_cstart, $3  }
0xc0: {  	[dreg:$0x1] =	wrdreg $0xFFFFFFFF  }
0xc1: {  	_ =	task.clear_ibuf [dreg:s7], $0x2FFFF;
	_ =	strace $0x9FFFFFFF  }
0xc2: {  	(tm) =	ssettm $0x7FFFFFFF  }
0xc3: {  	_ =	shalt  }
tec
execute0_lowered:
.L_overlay_start_1:
0x0: {  	(tag) =	ssettag $0x1  }
0x1: {  	s0 =	rddreg [dreg:$0x0]  }
0x2: {  	s2 =	rddreg [dreg:$0x1];
	s1 =	srdreg.scid  }
0x3: {  	s4 =	stileid.u32;
	s3 =	simm.s32 $0x0;
	s16 =	simm.s32 $0x3  }
0x4: {  	s19 =	simm.s32 $0x80;
	s20 =	simm.s32 $0xC80;
	s31 =	simm.s32 $0x10  }
0x5: {  	s12 =	simm.s32 $0x190;
	s18 =	simm.s32 $0x7080;
	s29 =	simm.s32 $0xB080  }
0x6: {  	s30 =	simm.s32 $0xBF0;
	s14 =	simm.s32 $0x19880;
	s15 =	simm.s32 $0x1  }
0x7: {  	s17 =	simm.s32 $0x2;
	s28 =	simm.s32 $0x4B0;
	s1 =	sand.u32 $0x1, s1  }
0x8: {  	s4 =	sshll.u32 s4, $0x1;
	[smem:$0x7FF] =	sst s3;
	s6 =	sadd.s32 $0x1DE00, s0  }
0x9: {  	s7 =	sadd.s32 $0x36E00, s0;
	s8 =	sadd.s32 $0x4FE00, s0;
	s5 =	sor.u32 s1, s4  }
0xa: {  	s9 =	sadd.s32 $0xE00, s0;
	s1 =	ssub.s32 $0x2, s1;
	s5 =	smul.u32 $0x6400, s5  }
0xb: {  	_ =	strace $0x80000047;
	s4 =	sadd.s32 $0x4E00, s0;
	s10 =	sshrl.u32 s1, $0x1  }
0xc: {  	s22 =	ssub.s32 s1, s10;
	s1 =	simm.s32 $0x310;
	s26 =	sor.u32 $0x320, s5  }
0xd: {  	s11 =	sshrl.u32 s5, $0x3;
	s0 =	smax.u32 s22, $0x1;
	[dreg:$0x6] =	wrdreg s26  }
0xe: {  	s10 =	simm.s32 $0xD080;
	s23 =	sadd.s32 s4, s11;
	[dreg:$0x7] =	wrdreg s0  }
0xf: {  	s13 =	sor.u32 $0x190, s5;
	s24 =	sadd.s32 s6, s11;
	[dreg:$0x3] =	wrdreg s23  }
0x10: {  	s22 =	simm.s32 $0x0;
	s25 =	sadd.s32 s7, s11;
	[dreg:$0x4] =	wrdreg s24  }
0x11: {  	s0 =	simm.s32 $0x17880;
	s11 =	simm.s32 $0xC70;
	[dreg:$0x5] =	wrdreg s25  }
.LBB2_1:
0x12: {  	[dreg:$0x8] =	wrdreg s22  }
0x13: {  	s21 =	rddreg [dreg:$0x3]  }
0x14: {  	[tilespmem:s3], [sflag:$0x3] =	stream.linear.gather [hbm4b:s21+s3], $0x190, $0x38;
	[tilespmem:$0x19C80] =	vst v63  }
0x15: {  	_ =	swait.ge [sflag:s16], $0x190  }
0x16: {  	[sflag:s16] =	ssyncset.done $0x0  }
0x17: {  	s24 =	simm.s32 $0x320;
	s23 =	rddreg [dreg:$0x4];
	[sflag:s16] =	ssyncadd.s32 $0xFFFFFE70  }
0x18: {  	[tilespmem:s24], [sflag:$0x3] =	stream.linear.gather [hbm4b:s23+s3], $0x190, $0x38;
	[tilespmem:$0x19C80] =	vst v63  }
0x19: {  	_ =	swait.ge [sflag:s16], $0x190  }
0x1a: {  	[sflag:s16] =	ssyncset.done $0x0  }
0x1b: {  	s26 =	simm.s32 $0x640;
	s25 =	rddreg [dreg:$0x5];
	[sflag:s16] =	ssyncadd.s32 $0xFFFFFE70  }
0x1c: {  	[tilespmem:s26], [sflag:$0x3] =	stream.linear.gather [hbm4b:s25+s3], $0x190, $0x38;
	[tilespmem:$0x19C80] =	vst v63  }
0x1d: {  	_ =	swait.ge [sflag:s16], $0x190  }
0x1e: {  	[sflag:s16] =	ssyncset.done $0x0  }
0x1f: {  	[sflag:s16] =	ssyncadd.s32 $0xFFFFFE70  }
0x20: {  	v0 =	vld [tilespmem:$0x320]  }
0x21: {  	v1 =	vld [tilespmem:$0x640]  }
0x22: {  	v2 =	vld [tilespmem:$0x330]  }
0x23: {  	v3 =	vld [tilespmem:$0x650]  }
0x24: {  	v4 =	vld [tilespmem:$0x340]  }
0x25: {  	v5 =	vld [tilespmem:$0x660]  }
0x26: {  	v6 =	vld [tilespmem:$0x350]  }
0x27: {  	v7 =	vld [tilespmem:$0x670]  }
0x28: {  	v8 =	vld [tilespmem:$0x360]  }
0x29: {  	v9 =	vld [tilespmem:$0x680]  }
0x2a: {  	v10 =	vld [tilespmem:$0x370]  }
0x2b: {  	v11 =	vld [tilespmem:$0x690]  }
0x2c: {  	v12 =	vld [tilespmem:$0x380]  }
0x2d: {  	v13 =	vld [tilespmem:$0x6A0]  }
0x2e: {  	v14 =	vld [tilespmem:$0x390]  }
0x2f: {  	v15 =	vld [tilespmem:$0x6B0]  }
0x30: {  	v16 =	vld [tilespmem:$0x3A0]  }
0x31: {  	v17 =	vld [tilespmem:$0x6C0]  }
0x32: {  	v18 =	vld [tilespmem:$0x3B0]  }
0x33: {  	v19 =	vld [tilespmem:$0x6D0]  }
0x34: {  	v20 =	vld [tilespmem:$0x3C0]  }
0x35: {  	v21 =	vld [tilespmem:$0x6E0]  }
0x36: {  	v22 =	vld [tilespmem:$0x3D0]  }
0x37: {  	v23 =	vld [tilespmem:$0x6F0]  }
0x38: {  	v24 =	vld [tilespmem:$0x3E0]  }
0x39: {  	v25 =	vld [tilespmem:$0x700]  }
0x3a: {  	v26 =	vld [tilespmem:$0x3F0]  }
0x3b: {  	v27 =	vld [tilespmem:$0x710]  }
0x3c: {  	v28 =	vld [tilespmem:$0x400]  }
0x3d: {  	v29 =	vld [tilespmem:$0x720];
	v0 =	vshll.u32 v0, $0x8  }
0x3e: {  	v39 =	vld [tilespmem:$0x410];
	v38 =	vshll.u32 v2, $0x8;
	v0 =	vadd.s32 v1, v0  }
0x3f: {  	v42 =	vld [tilespmem:$0x730];
	v41 =	vshll.u32 v4, $0x8;
	v40 =	vadd.s32 v3, v38;
	[tilespmem:$0x960] =	vst v0  }
0x40: {  	v45 =	vld [tilespmem:$0x420];
	v44 =	vshll.u32 v6, $0x8;
	v43 =	vadd.s32 v5, v41;
	[tilespmem:$0x970] =	vst v40  }
0x41: {  	v48 =	vld [tilespmem:$0x740];
	v47 =	vshll.u32 v8, $0x8;
	v46 =	vadd.s32 v7, v44;
	[tilespmem:$0x980] =	vst v43  }
0x42: {  	v51 =	vld [tilespmem:$0x430];
	v50 =	vshll.u32 v10, $0x8;
	v49 =	vadd.s32 v9, v47;
	[tilespmem:$0x990] =	vst v46  }
0x43: {  	v54 =	vld [tilespmem:$0x750];
	v53 =	vshll.u32 v12, $0x8;
	v52 =	vadd.s32 v11, v50;
	[tilespmem:$0x9A0] =	vst v49  }
0x44: {  	v57 =	vld [tilespmem:$0x440];
	v56 =	vshll.u32 v14, $0x8;
	v55 =	vadd.s32 v13, v53;
	[tilespmem:$0x9B0] =	vst v52  }
0x45: {  	v60 =	vld [tilespmem:$0x760];
	v59 =	vshll.u32 v16, $0x8;
	v58 =	vadd.s32 v15, v56;
	[tilespmem:$0x9C0] =	vst v55  }
0x46: {  	v63 =	vld [tilespmem:$0x450];
	v62 =	vshll.u32 v18, $0x8;
	v61 =	vadd.s32 v17, v59;
	[tilespmem:$0x9D0] =	vst v58  }
0x47: {  	v30 =	vld [tilespmem:$0x780];
	v18 =	vshll.u32 v20, $0x8;
	v17 =	vadd.s32 v19, v62;
	[tilespmem:$0x9E0] =	vst v61  }
0x48: {  	v33 =	vld [tilespmem:$0x470];
	v24 =	vshll.u32 v24, $0x8;
	v20 =	vadd.s32 v21, v18;
	[tilespmem:$0x9F0] =	vst v17  }
0x49: {  	v36 =	vld [tilespmem:$0x790];
	v32 =	vshll.u32 v26, $0x8;
	v31 =	vadd.s32 v25, v24;
	[tilespmem:$0xA00] =	vst v20  }
0x4a: {  	v35 =	vshll.u32 v28, $0x8;
	v19 =	vld [tilespmem:$0x770];
	v34 =	vadd.s32 v27, v32;
	[tilespmem:$0xA20] =	vst v31  }
0x4b: {  	v21 =	vshll.u32 v22, $0x8;
	v22 =	vld [tilespmem:$0x460];
	v37 =	vadd.s32 v29, v35;
	[tilespmem:$0xA30] =	vst v34  }
0x4c: {  	v38 =	vshll.u32 v39, $0x8;
	v39 =	vld [tilespmem:$0x480];
	v23 =	vadd.s32 v23, v21;
	[tilespmem:$0xA40] =	vst v37  }
0x4d: {  	v41 =	vshll.u32 v45, $0x8;
	v45 =	vld [tilespmem:$0x490];
	v40 =	vadd.s32 v42, v38;
	[tilespmem:$0xA10] =	vst v23  }
0x4e: {  	v44 =	vshll.u32 v51, $0x8;
	v51 =	vld [tilespmem:$0x4A0];
	v43 =	vadd.s32 v48, v41;
	[tilespmem:$0xA50] =	vst v40  }
0x4f: {  	v47 =	vshll.u32 v57, $0x8;
	v42 =	vld [tilespmem:$0x7A0];
	v46 =	vadd.s32 v54, v44;
	[tilespmem:$0xA60] =	vst v43  }
0x50: {  	v56 =	vshll.u32 v33, $0x8;
	v48 =	vld [tilespmem:$0x7B0];
	v49 =	vadd.s32 v60, v47;
	[tilespmem:$0xA70] =	vst v46  }
0x51: {  	v50 =	vshll.u32 v63, $0x8;
	v54 =	vld [tilespmem:$0x7C0];
	v57 =	vadd.s32 v36, v56;
	[tilespmem:$0xA80] =	vst v49  }
0x52: {  	[tilespmem:$0xAB0] =	vst v57;
	v52 =	vadd.s32 v19, v50;
	v53 =	vshll.u32 v22, $0x8  }
0x53: {  	v58 =	vshll.u32 v39, $0x8;
	[tilespmem:$0xA90] =	vst v52;
	v55 =	vadd.s32 v30, v53  }
0x54: {  	v60 =	vshll.u32 v45, $0x8;
	v59 =	vadd.s32 v42, v58;
	[tilespmem:$0xAA0] =	vst v55  }
0x55: {  	v62 =	vshll.u32 v51, $0x8;
	v61 =	vadd.s32 v48, v60;
	[tilespmem:$0xAC0] =	vst v59  }
0x56: {  	v63 =	vadd.s32 v54, v62;
	[tilespmem:$0xAD0] =	vst v61  }
0x57: {  	[tilespmem:$0xAE0] =	vst v63  }
0x58: {  	[tilespmem:s20], [sflag:$0x1] =	stream.indirect.gather [hbm4b:s8+s19], $0x40, s3, s19, $0xb8;
	[tilespmem:$0x19C80] =	vst v63  }
0x59: {  	s22 =	simm.s32 $0x960;
	s23 =	simm.s32 $0xD480  }
0x5a: {  	[tilespmem:s23], [sflag:$0x1] =	stream.indirect.gather [hbm4b:s9+s19], $0x40, s22, s19, $0xb8;
	[tilespmem:$0x19C80] =	vst v63  }
0x5b: {  	s24 =	simm.s32 $0x2C80  }
0x5c: {  	[tilespmem:s24], [sflag:$0x1] =	stream.indirect.gather [hbm4b:s8+s19], $0x40, s19, s19, $0xb8;
	[tilespmem:$0x19C80] =	vst v63  }
0x5d: {  	s25 =	simm.s32 $0x9E0;
	s26 =	simm.s32 $0xF480  }
0x5e: {  	[tilespmem:s26], [sflag:$0x1] =	stream.indirect.gather [hbm4b:s9+s19], $0x40, s25, s19, $0xb8;
	[tilespmem:$0x19C80] =	vst v63  }
0x5f: {  	s23 =	simm.s32 $0x100;
	s24 =	simm.s32 $0x4C80  }
0x60: {  	[tilespmem:s24], [sflag:$0x1] =	stream.indirect.gather [hbm4b:s8+s19], $0x40, s23, s19, $0xb8;
	[tilespmem:$0x19C80] =	vst v63  }
0x61: {  	s25 =	simm.s32 $0xA60;
	s26 =	simm.s32 $0x11480  }
0x62: {  	[tilespmem:s26], [sflag:$0x1] =	stream.indirect.gather [hbm4b:s9+s19], $0x40, s25, s19, $0xb8;
	[tilespmem:$0x19C80] =	vst v63  }
0x63: {  	s23 =	simm.s32 $0x180;
	s24 =	simm.s32 $0x6C80  }
0x64: {  	[tilespmem:s24], [sflag:$0x1] =	stream.indirect.gather [hbm4b:s8+s31], $0x40, s23, s31, $0xb8;
	[tilespmem:$0x19C80] =	vst v63  }
0x65: {  	s21 =	simm.s32 $0x0;
	s25 =	simm.s32 $0xAE0;
	s26 =	simm.s32 $0x13480  }
0x66: {  	[tilespmem:s26], [sflag:$0x1] =	stream.indirect.gather [hbm4b:s9+s31], $0x40, s25, s31, $0xb8;
	[tilespmem:$0x19C80] =	vst v63  }
.LBB2_2:
0x67: {  	s23 =	smul.u32 $0x320, s21;
	_ =	sdelay $0x1  }
0x68: {  	s22 =	sadd.s32 s23, s13  }
0x69: {  	s24 =	sshrl.u32 s22, $0x3  }
0x6a: {  	s26 =	simm.s32 $0x0;
	s25 =	sadd.s32 s4, s24  }
0x6b: {  	[tilespmem:s12], [sflag:$0x3] =	stream.linear.gather [hbm4b:s25+s26], $0x190, $0x38;
	[tilespmem:$0x19C80] =	vst v63  }
0x6c: {  	_ =	swait.ge [sflag:s16], $0x190  }
0x6d: {  	[sflag:s16] =	ssyncset.done $0x0  }
0x6e: {  	s25 =	sadd.s32 s6, s24;
	[sflag:s16] =	ssyncadd.s32 $0xFFFFFE70  }
0x6f: {  	[tilespmem:s28], [sflag:$0x3] =	stream.linear.gather [hbm4b:s25+s26], $0x190, $0x38;
	[tilespmem:$0x19C80] =	vst v63  }
0x70: {  	_ =	swait.ge [sflag:s16], $0x190  }
0x71: {  	[sflag:s16] =	ssyncset.done $0x0  }
0x72: {  	s24 =	sadd.s32 s7, s24;
	s25 =	simm.s32 $0x7D0;
	[sflag:s16] =	ssyncadd.s32 $0xFFFFFE70  }
0x73: {  	[tilespmem:s25], [sflag:$0x3] =	stream.linear.gather [hbm4b:s24+s26], $0x190, $0x38;
	[tilespmem:$0x19C80] =	vst v63  }
0x74: {  	_ =	swait.ge [sflag:s16], $0x190  }
0x75: {  	[sflag:s16] =	ssyncset.done $0x0  }
0x76: {  	[sflag:s16] =	ssyncadd.s32 $0xFFFFFE70  }
0x77: {  	v0 =	vld [tilespmem:$0x4B0]  }
0x78: {  	v1 =	vld [tilespmem:$0x7D0]  }
0x79: {  	v2 =	vld [tilespmem:$0x4C0]  }
0x7a: {  	v3 =	vld [tilespmem:$0x7E0]  }
0x7b: {  	v4 =	vld [tilespmem:$0x4D0]  }
0x7c: {  	v5 =	vld [tilespmem:$0x7F0]  }
0x7d: {  	v6 =	vld [tilespmem:$0x4E0]  }
0x7e: {  	v7 =	vld [tilespmem:$0x800]  }
0x7f: {  	v8 =	vld [tilespmem:$0x4F0]  }
0x80: {  	v9 =	vld [tilespmem:$0x810]  }
0x81: {  	v10 =	vld [tilespmem:$0x500]  }
0x82: {  	v11 =	vld [tilespmem:$0x820]  }
0x83: {  	v12 =	vld [tilespmem:$0x510]  }
0x84: {  	v13 =	vld [tilespmem:$0x830]  }
0x85: {  	v14 =	vld [tilespmem:$0x520]  }
0x86: {  	v15 =	vld [tilespmem:$0x840]  }
0x87: {  	v16 =	vld [tilespmem:$0x530]  }
0x88: {  	v17 =	vld [tilespmem:$0x850]  }
0x89: {  	v18 =	vld [tilespmem:$0x540]  }
0x8a: {  	v19 =	vld [tilespmem:$0x860]  }
0x8b: {  	v20 =	vld [tilespmem:$0x550]  }
0x8c: {  	v21 =	vld [tilespmem:$0x870]  }
0x8d: {  	v22 =	vld [tilespmem:$0x560]  }
0x8e: {  	v23 =	vld [tilespmem:$0x880]  }
0x8f: {  	v24 =	vld [tilespmem:$0x570]  }
0x90: {  	v25 =	vld [tilespmem:$0x890]  }
0x91: {  	v26 =	vld [tilespmem:$0x580]  }
0x92: {  	v27 =	vld [tilespmem:$0x8A0]  }
0x93: {  	v28 =	vld [tilespmem:$0x590]  }
0x94: {  	v29 =	vld [tilespmem:$0x8B0];
	v0 =	vshll.u32 v0, $0x8  }
0x95: {  	v48 =	vld [tilespmem:$0x5B0];
	v0 =	vadd.s32 v1, v0;
	v1 =	vshll.u32 v2, $0x8  }
0x96: {  	v49 =	vld [tilespmem:$0x8D0];
	[tilespmem:$0xAF0] =	vst v0;
	v0 =	vadd.s32 v3, v1;
	v1 =	vshll.u32 v4, $0x8  }
0x97: {  	v50 =	vld [tilespmem:$0x5C0];
	[tilespmem:$0xB00] =	vst v0;
	v0 =	vadd.s32 v5, v1;
	v1 =	vshll.u32 v6, $0x8  }
0x98: {  	v51 =	vld [tilespmem:$0x8E0];
	[tilespmem:$0xB10] =	vst v0;
	v0 =	vadd.s32 v7, v1;
	v1 =	vshll.u32 v8, $0x8  }
0x99: {  	v52 =	vld [tilespmem:$0x5D0];
	[tilespmem:$0xB20] =	vst v0;
	v0 =	vadd.s32 v9, v1;
	v1 =	vshll.u32 v10, $0x8  }
0x9a: {  	v53 =	vld [tilespmem:$0x8F0];
	[tilespmem:$0xB30] =	vst v0;
	v0 =	vadd.s32 v11, v1;
	v1 =	vshll.u32 v12, $0x8  }
0x9b: {  	v54 =	vld [tilespmem:$0x5E0];
	[tilespmem:$0xB40] =	vst v0;
	v0 =	vadd.s32 v13, v1;
	v1 =	vshll.u32 v14, $0x8  }
0x9c: {  	v55 =	vld [tilespmem:$0x900];
	[tilespmem:$0xB50] =	vst v0;
	v0 =	vadd.s32 v15, v1;
	v1 =	vshll.u32 v16, $0x8  }
0x9d: {  	v56 =	vld [tilespmem:$0x5F0];
	[tilespmem:$0xB60] =	vst v0;
	v0 =	vadd.s32 v17, v1;
	v1 =	vshll.u32 v18, $0x8  }
0x9e: {  	v2 =	vld [tilespmem:$0x5A0];
	[tilespmem:$0xB70] =	vst v0;
	v0 =	vadd.s32 v19, v1;
	v1 =	vshll.u32 v20, $0x8  }
0x9f: {  	v3 =	vld [tilespmem:$0x8C0];
	[tilespmem:$0xB80] =	vst v0;
	v0 =	vadd.s32 v21, v1;
	v1 =	vshll.u32 v22, $0x8  }
0xa0: {  	v57 =	vld [tilespmem:$0x910];
	[tilespmem:$0xB90] =	vst v0;
	v0 =	vadd.s32 v23, v1;
	v1 =	vshll.u32 v24, $0x8  }
0xa1: {  	v58 =	vld [tilespmem:$0x600];
	[tilespmem:$0xBA0] =	vst v0;
	v0 =	vadd.s32 v25, v1;
	v1 =	vshll.u32 v26, $0x8  }
0xa2: {  	v59 =	vld [tilespmem:$0x920];
	[tilespmem:$0xBB0] =	vst v0;
	v0 =	vadd.s32 v27, v1;
	v1 =	vshll.u32 v28, $0x8  }
0xa3: {  	v60 =	vld [tilespmem:$0x620];
	[tilespmem:$0xBC0] =	vst v0;
	v0 =	vadd.s32 v29, v1;
	v1 =	vshll.u32 v2, $0x8  }
0xa4: {  	v61 =	vld [tilespmem:$0x940];
	[tilespmem:$0xBD0] =	vst v0;
	v0 =	vadd.s32 v3, v1;
	v1 =	vshll.u32 v48, $0x8  }
0xa5: {  	v2 =	vld [tilespmem:$0x610];
	[tilespmem:$0xBE0] =	vst v0;
	v0 =	vadd.s32 v49, v1;
	v1 =	vshll.u32 v50, $0x8  }
0xa6: {  	v3 =	vld [tilespmem:$0x930];
	[tilespmem:$0xBF0] =	vst v0;
	v0 =	vadd.s32 v51, v1;
	v1 =	vshll.u32 v52, $0x8  }
0xa7: {  	v62 =	vld [tilespmem:$0x630];
	[tilespmem:$0xC00] =	vst v0;
	v0 =	vadd.s32 v53, v1;
	v1 =	vshll.u32 v54, $0x8  }
0xa8: {  	v63 =	vld [tilespmem:$0x950];
	[tilespmem:$0xC10] =	vst v0;
	v0 =	vadd.s32 v55, v1;
	v1 =	vshll.u32 v56, $0x8  }
0xa9: {  	[tilespmem:$0xC20] =	vst v0;
	v0 =	vadd.s32 v57, v1;
	v1 =	vshll.u32 v58, $0x8  }
0xaa: {  	[tilespmem:$0xC30] =	vst v0;
	v0 =	vadd.s32 v59, v1;
	v1 =	vshll.u32 v2, $0x8  }
0xab: {  	[tilespmem:$0xC40] =	vst v0;
	v0 =	vadd.s32 v3, v1;
	v1 =	vshll.u32 v60, $0x8  }
0xac: {  	[tilespmem:$0xC50] =	vst v0;
	v0 =	vadd.s32 v61, v1;
	v1 =	vshll.u32 v62, $0x8  }
0xad: {  	[tilespmem:$0xC60] =	vst v0;
	v0 =	vadd.s32 v63, v1  }
0xae: {  	[tilespmem:$0xC70] =	vst v0  }
0xaf: {  	[tilespmem:s18], [sflag:$0x2] =	stream.indirect.gather [hbm4b:s8+s19], $0x40, s12, s19, $0xb8;
	[tilespmem:$0x19C80] =	vst v63  }
0xb0: {  	s25 =	simm.s32 $0xAF0;
	s26 =	simm.s32 $0x13880  }
0xb1: {  	[tilespmem:s26], [sflag:$0x2] =	stream.indirect.gather [hbm4b:s9+s19], $0x40, s25, s19, $0xb8;
	[tilespmem:$0x19C80] =	vst v63  }
0xb2: {  	s25 =	simm.s32 $0x210;
	s26 =	simm.s32 $0x9080  }
0xb3: {  	[tilespmem:s26], [sflag:$0x2] =	stream.indirect.gather [hbm4b:s8+s19], $0x40, s25, s19, $0xb8;
	[tilespmem:$0x19C80] =	vst v63  }
0xb4: {  	s25 =	simm.s32 $0xB70;
	s26 =	simm.s32 $0x15880  }
0xb5: {  	[tilespmem:s26], [sflag:$0x2] =	stream.indirect.gather [hbm4b:s9+s19], $0x40, s25, s19, $0xb8;
	[tilespmem:$0x19C80] =	vst v63  }
0xb6: {  	s26 =	simm.s32 $0x290  }
0xb7: {  	[tilespmem:s29], [sflag:$0x2] =	stream.indirect.gather [hbm4b:s8+s19], $0x40, s26, s19, $0xb8;
	[tilespmem:$0x19C80] =	vst v63  }
0xb8: {  	_ = 	snop  }
0xb9: {  	[tilespmem:s0], [sflag:$0x2] =	stream.indirect.gather [hbm4b:s9+s19], $0x40, s30, s19, $0xb8;
	[tilespmem:$0x19C80] =	vst v63  }
0xba: {  	_ = 	snop  }
0xbb: {  	[tilespmem:s10], [sflag:$0x2] =	stream.indirect.gather [hbm4b:s8+s31], $0x40, s1, s31, $0xb8;
	[tilespmem:$0x19C80] =	vst v63  }
0xbc: {  	_ = 	snop  }
0xbd: {  	[tilespmem:s14], [sflag:$0x2] =	stream.indirect.gather [hbm4b:s9+s31], $0x40, s11, s31, $0xb8;
	[tilespmem:$0x19C80] =	vst v63  }
0xbe: {  	_ =	swait.ge [sflag:s15], $0x6400  }
0xbf: {  	[sflag:s15] =	ssyncset.done $0x0  }
0xc0: {  	[sflag:s15] =	ssyncadd.s32 $0xFFFF9C00  }
0xc1: {  	_ =	swait.ge [sflag:s15], $0x6400  }
0xc2: {  	[sflag:s15] =	ssyncset.done $0x0  }
0xc3: {  	s24 =	simm.s32 $0x0;
	[sflag:s15] =	ssyncadd.s32 $0xFFFF9C00  }
0xc4: {  	v1 =	vld [tilespmem:s24+$0xD4B0]  }
0xc5: {  	v2 =	vld [tilespmem:s24+$0xD480]  }
0xc6: {  	v3 =	vld [tilespmem:s24+$0xD490]  }
0xc7: {  	v0 =	vld [tilespmem:s24+$0xD4A0];
	_ =	sdelay $0x1  }
0xc8: {  	[tilespmem:s24+$0xCB0] =	vst.add.f32.msk $0xffff, v1  }
0xc9: {  	[tilespmem:s24+$0xC80] =	vst.add.f32.msk $0xffff, v2  }
0xca: {  	s25 =	simm.s32 $0x40;
	s26 =	simm.s32 $0x200;
	[tilespmem:s24+$0xC90] =	vst.add.f32.msk $0xffff, v3  }
.LBB2_3:
0xcb: {  	p0 =	sne.s32 s26, $0x18F00;
	v1 =	vld [tilespmem:s25+$0xD4B0];
	v2 =	vmov v0  }
0xcc: {  	v3 =	vld [tilespmem:s25+$0xD480]  }
0xcd: {  	v4 =	vld [tilespmem:s25+$0xD490]  }
.Ltmp0:
0xce: {  	v0 =	vld [tilespmem:s25+$0xD4A0];
	(pc) =	sbr.rel @p0 .LBB2_3-.Ltmp0, $4  }
0xcf: {  	[tilespmem:s24+$0xCA0] =	vst.add.f32.msk $0xffff, v2;
	s24 =	smov.u32 s25  }
0xd0: {  	[tilespmem:s24+$0xCB0] =	vst.add.f32.msk $0xffff, v1  }
0xd1: {  	[tilespmem:s24+$0xC80] =	vst.add.f32.msk $0xffff, v3  }
0xd2: {  	s25 =	sshra.s32 s26, $0x2;
	s26 =	sadd.s32 $0x100, s26;
	[tilespmem:s24+$0xC90] =	vst.add.f32.msk $0xffff, v4  }
0xd3: {  	v1 =	vld [tilespmem:s25+$0xD4B0]  }
0xd4: {  	v2 =	vld [tilespmem:s25+$0xD480]  }
0xd5: {  	v3 =	vld [tilespmem:s25+$0xD490]  }
0xd6: {  	v4 =	vld [tilespmem:s25+$0xD4A0]  }
0xd7: {  	[tilespmem:s24+$0xCA0] =	vst.add.f32.msk $0xffff, v0  }
0xd8: {  	[tilespmem:s25+$0xCB0] =	vst.add.f32.msk $0xffff, v1  }
0xd9: {  	s26 =	sadd.s32 s5, s23;
	[tilespmem:s25+$0xC80] =	vst.add.f32.msk $0xffff, v2  }
0xda: {  	p0 =	seq.s32 s21, $0x1F;
	s24 =	sshll.u32 s26, $0x3;
	[tilespmem:s25+$0xC90] =	vst.add.f32.msk $0xffff, v3  }
.Ltmp1:
0xdb: {  	s24 =	sadd.s32 s2, s24;
	[tilespmem:s25+$0xCA0] =	vst.add.f32.msk $0xffff, v4;
	(pc) =	sbr.rel @p0 .LBB2_6-.Ltmp1, $4  }
0xdc: {  	[hbm4b:s24+s3] =	stream.linear.scatter [tilespmem:s20], [sflag:$0x3], $0x6400, $0x38;
	[tilespmem:$0x19C80] =	vst v63  }
0xdd: {  	_ =	swait.ge [sflag:s16], $0x6400  }
0xde: {  	[sflag:s16] =	ssyncset.done $0x0  }
0xdf: {  	[sflag:s16] =	ssyncadd.s32 $0xFFFF9C00  }
0xe0: {  	s24 =	rddreg [dreg:$0x6]  }
0xe1: {  	s23 =	sadd.s32 s23, s24  }
0xe2: {  	s23 =	sshrl.u32 s23, $0x3  }
0xe3: {  	s25 =	sadd.s32 s4, s23  }
0xe4: {  	[tilespmem:s3], [sflag:$0x3] =	stream.linear.gather [hbm4b:s25+s3], $0x190, $0x38;
	[tilespmem:$0x19C80] =	vst v63  }
0xe5: {  	_ =	swait.ge [sflag:s16], $0x190  }
0xe6: {  	[sflag:s16] =	ssyncset.done $0x0  }
0xe7: {  	s26 =	sadd.s32 s6, s23;
	s25 =	simm.s32 $0x320;
	[sflag:s16] =	ssyncadd.s32 $0xFFFFFE70  }
0xe8: {  	[tilespmem:s25], [sflag:$0x3] =	stream.linear.gather [hbm4b:s26+s3], $0x190, $0x38;
	[tilespmem:$0x19C80] =	vst v63  }
0xe9: {  	_ =	swait.ge [sflag:s16], $0x190  }
0xea: {  	[sflag:s16] =	ssyncset.done $0x0  }
0xeb: {  	s23 =	sadd.s32 s7, s23;
	s26 =	simm.s32 $0x640;
	[sflag:s16] =	ssyncadd.s32 $0xFFFFFE70  }
0xec: {  	[tilespmem:s26], [sflag:$0x3] =	stream.linear.gather [hbm4b:s23+s3], $0x190, $0x38;
	[tilespmem:$0x19C80] =	vst v63  }
0xed: {  	_ =	swait.ge [sflag:s16], $0x190  }
0xee: {  	[sflag:s16] =	ssyncset.done $0x0  }
0xef: {  	[sflag:s16] =	ssyncadd.s32 $0xFFFFFE70  }
0xf0: {  	v0 =	vld [tilespmem:$0x320]  }
0xf1: {  	v1 =	vld [tilespmem:$0x640]  }
0xf2: {  	v2 =	vld [tilespmem:$0x330]  }
0xf3: {  	v3 =	vld [tilespmem:$0x650]  }
0xf4: {  	v4 =	vld [tilespmem:$0x340]  }
0xf5: {  	v5 =	vld [tilespmem:$0x660]  }
0xf6: {  	v6 =	vld [tilespmem:$0x350]  }
0xf7: {  	v7 =	vld [tilespmem:$0x670]  }
0xf8: {  	v8 =	vld [tilespmem:$0x360]  }
0xf9: {  	v9 =	vld [tilespmem:$0x680]  }
0xfa: {  	v10 =	vld [tilespmem:$0x370]  }
0xfb: {  	v11 =	vld [tilespmem:$0x690]  }
0xfc: {  	v12 =	vld [tilespmem:$0x380]  }
0xfd: {  	v13 =	vld [tilespmem:$0x6A0]  }
0xfe: {  	v14 =	vld [tilespmem:$0x390]  }
0xff: {  	v15 =	vld [tilespmem:$0x6B0]  }
0x100: {  	v16 =	vld [tilespmem:$0x3A0]  }
0x101: {  	v17 =	vld [tilespmem:$0x6C0]  }
0x102: {  	v18 =	vld [tilespmem:$0x3B0]  }
0x103: {  	v19 =	vld [tilespmem:$0x6D0]  }
0x104: {  	v20 =	vld [tilespmem:$0x3C0]  }
0x105: {  	v21 =	vld [tilespmem:$0x6E0]  }
0x106: {  	v22 =	vld [tilespmem:$0x3D0]  }
0x107: {  	v23 =	vld [tilespmem:$0x6F0]  }
0x108: {  	v24 =	vld [tilespmem:$0x3E0]  }
0x109: {  	v25 =	vld [tilespmem:$0x700]  }
0x10a: {  	v26 =	vld [tilespmem:$0x3F0]  }
0x10b: {  	v27 =	vld [tilespmem:$0x710]  }
0x10c: {  	v28 =	vld [tilespmem:$0x400]  }
0x10d: {  	v29 =	vld [tilespmem:$0x720];
	v0 =	vshll.u32 v0, $0x8  }
0x10e: {  	v39 =	vld [tilespmem:$0x410];
	v38 =	vshll.u32 v2, $0x8;
	v0 =	vadd.s32 v1, v0  }
0x10f: {  	v42 =	vld [tilespmem:$0x730];
	v41 =	vshll.u32 v4, $0x8;
	v40 =	vadd.s32 v3, v38;
	[tilespmem:$0x960] =	vst v0  }
0x110: {  	v45 =	vld [tilespmem:$0x420];
	v44 =	vshll.u32 v6, $0x8;
	v43 =	vadd.s32 v5, v41;
	[tilespmem:$0x970] =	vst v40  }
0x111: {  	v48 =	vld [tilespmem:$0x740];
	v47 =	vshll.u32 v8, $0x8;
	v46 =	vadd.s32 v7, v44;
	[tilespmem:$0x980] =	vst v43  }
0x112: {  	v51 =	vld [tilespmem:$0x430];
	v50 =	vshll.u32 v10, $0x8;
	v49 =	vadd.s32 v9, v47;
	[tilespmem:$0x990] =	vst v46  }
0x113: {  	v54 =	vld [tilespmem:$0x750];
	v53 =	vshll.u32 v12, $0x8;
	v52 =	vadd.s32 v11, v50;
	[tilespmem:$0x9A0] =	vst v49  }
0x114: {  	v57 =	vld [tilespmem:$0x440];
	v56 =	vshll.u32 v14, $0x8;
	v55 =	vadd.s32 v13, v53;
	[tilespmem:$0x9B0] =	vst v52  }
0x115: {  	v60 =	vld [tilespmem:$0x760];
	v59 =	vshll.u32 v16, $0x8;
	v58 =	vadd.s32 v15, v56;
	[tilespmem:$0x9C0] =	vst v55  }
0x116: {  	v63 =	vld [tilespmem:$0x450];
	v62 =	vshll.u32 v18, $0x8;
	v61 =	vadd.s32 v17, v59;
	[tilespmem:$0x9D0] =	vst v58  }
0x117: {  	v30 =	vld [tilespmem:$0x780];
	v18 =	vshll.u32 v20, $0x8;
	v17 =	vadd.s32 v19, v62;
	[tilespmem:$0x9E0] =	vst v61  }
0x118: {  	v33 =	vld [tilespmem:$0x470];
	v24 =	vshll.u32 v24, $0x8;
	v20 =	vadd.s32 v21, v18;
	[tilespmem:$0x9F0] =	vst v17  }
0x119: {  	v36 =	vld [tilespmem:$0x790];
	v32 =	vshll.u32 v26, $0x8;
	v31 =	vadd.s32 v25, v24;
	[tilespmem:$0xA00] =	vst v20  }
0x11a: {  	v35 =	vshll.u32 v28, $0x8;
	v19 =	vld [tilespmem:$0x770];
	v34 =	vadd.s32 v27, v32;
	[tilespmem:$0xA20] =	vst v31  }
0x11b: {  	v21 =	vshll.u32 v22, $0x8;
	v22 =	vld [tilespmem:$0x460];
	v37 =	vadd.s32 v29, v35;
	[tilespmem:$0xA30] =	vst v34  }
0x11c: {  	v38 =	vshll.u32 v39, $0x8;
	v39 =	vld [tilespmem:$0x480];
	v23 =	vadd.s32 v23, v21;
	[tilespmem:$0xA40] =	vst v37  }
0x11d: {  	v41 =	vshll.u32 v45, $0x8;
	v45 =	vld [tilespmem:$0x490];
	v40 =	vadd.s32 v42, v38;
	[tilespmem:$0xA10] =	vst v23  }
0x11e: {  	v44 =	vshll.u32 v51, $0x8;
	v51 =	vld [tilespmem:$0x4A0];
	v43 =	vadd.s32 v48, v41;
	[tilespmem:$0xA50] =	vst v40  }
0x11f: {  	v47 =	vshll.u32 v57, $0x8;
	v42 =	vld [tilespmem:$0x7A0];
	v46 =	vadd.s32 v54, v44;
	[tilespmem:$0xA60] =	vst v43  }
0x120: {  	v56 =	vshll.u32 v33, $0x8;
	v48 =	vld [tilespmem:$0x7B0];
	v49 =	vadd.s32 v60, v47;
	[tilespmem:$0xA70] =	vst v46  }
0x121: {  	v50 =	vshll.u32 v63, $0x8;
	v54 =	vld [tilespmem:$0x7C0];
	v57 =	vadd.s32 v36, v56;
	[tilespmem:$0xA80] =	vst v49  }
0x122: {  	[tilespmem:$0xAB0] =	vst v57;
	v52 =	vadd.s32 v19, v50;
	v53 =	vshll.u32 v22, $0x8  }
0x123: {  	v58 =	vshll.u32 v39, $0x8;
	[tilespmem:$0xA90] =	vst v52;
	v55 =	vadd.s32 v30, v53  }
0x124: {  	v60 =	vshll.u32 v45, $0x8;
	v59 =	vadd.s32 v42, v58;
	[tilespmem:$0xAA0] =	vst v55  }
0x125: {  	v62 =	vshll.u32 v51, $0x8;
	v61 =	vadd.s32 v48, v60;
	[tilespmem:$0xAC0] =	vst v59  }
0x126: {  	v63 =	vadd.s32 v54, v62;
	[tilespmem:$0xAD0] =	vst v61  }
0x127: {  	[tilespmem:$0xAE0] =	vst v63  }
0x128: {  	[tilespmem:s20], [sflag:$0x1] =	stream.indirect.gather [hbm4b:s8+s19], $0x40, s3, s19, $0xb8;
	[tilespmem:$0x19C80] =	vst v63  }
0x129: {  	s25 =	simm.s32 $0x960;
	s26 =	simm.s32 $0xD480  }
0x12a: {  	[tilespmem:s26], [sflag:$0x1] =	stream.indirect.gather [hbm4b:s9+s19], $0x40, s25, s19, $0xb8;
	[tilespmem:$0x19C80] =	vst v63  }
0x12b: {  	s24 =	simm.s32 $0x2C80  }
0x12c: {  	[tilespmem:s24], [sflag:$0x1] =	stream.indirect.gather [hbm4b:s8+s19], $0x40, s19, s19, $0xb8;
	[tilespmem:$0x19C80] =	vst v63  }
0x12d: {  	s25 =	simm.s32 $0x9E0;
	s26 =	simm.s32 $0xF480  }
0x12e: {  	[tilespmem:s26], [sflag:$0x1] =	stream.indirect.gather [hbm4b:s9+s19], $0x40, s25, s19, $0xb8;
	[tilespmem:$0x19C80] =	vst v63  }
0x12f: {  	s25 =	simm.s32 $0x100;
	s26 =	simm.s32 $0x4C80  }
0x130: {  	[tilespmem:s26], [sflag:$0x1] =	stream.indirect.gather [hbm4b:s8+s19], $0x40, s25, s19, $0xb8;
	[tilespmem:$0x19C80] =	vst v63  }
0x131: {  	s25 =	simm.s32 $0xA60;
	s26 =	simm.s32 $0x11480  }
0x132: {  	[tilespmem:s26], [sflag:$0x1] =	stream.indirect.gather [hbm4b:s9+s19], $0x40, s25, s19, $0xb8;
	[tilespmem:$0x19C80] =	vst v63  }
0x133: {  	s25 =	simm.s32 $0x180;
	s26 =	simm.s32 $0x6C80  }
0x134: {  	[tilespmem:s26], [sflag:$0x1] =	stream.indirect.gather [hbm4b:s8+s31], $0x40, s25, s31, $0xb8;
	[tilespmem:$0x19C80] =	vst v63  }
0x135: {  	s25 =	simm.s32 $0xAE0;
	s26 =	simm.s32 $0x13480  }
0x136: {  	[tilespmem:s26], [sflag:$0x1] =	stream.indirect.gather [hbm4b:s9+s31], $0x40, s25, s31, $0xb8;
	[tilespmem:$0x19C80] =	vst v63  }
.LBB2_6:
0x137: {  	_ =	swait.ge [sflag:s17], $0x6400  }
0x138: {  	[sflag:s17] =	ssyncset.done $0x0  }
0x139: {  	[sflag:s17] =	ssyncadd.s32 $0xFFFF9C00  }
0x13a: {  	_ =	swait.ge [sflag:s17], $0x6400  }
0x13b: {  	[sflag:s17] =	ssyncset.done $0x0  }
0x13c: {  	s23 =	simm.s32 $0x0;
	[sflag:s17] =	ssyncadd.s32 $0xFFFF9C00  }
0x13d: {  	v1 =	vld [tilespmem:s23+$0x138B0]  }
0x13e: {  	v2 =	vld [tilespmem:s23+$0x13880]  }
0x13f: {  	v3 =	vld [tilespmem:s23+$0x13890]  }
0x140: {  	v0 =	vld [tilespmem:s23+$0x138A0];
	_ =	sdelay $0x1  }
0x141: {  	[tilespmem:s23+$0x70B0] =	vst.add.f32.msk $0xffff, v1  }
0x142: {  	[tilespmem:s23+$0x7080] =	vst.add.f32.msk $0xffff, v2  }
0x143: {  	s24 =	simm.s32 $0x40;
	s25 =	simm.s32 $0x200;
	[tilespmem:s23+$0x7090] =	vst.add.f32.msk $0xffff, v3  }
.LBB2_7:
0x144: {  	p0 =	sne.s32 s25, $0x18F00;
	v1 =	vld [tilespmem:s24+$0x138B0];
	v2 =	vmov v0  }
0x145: {  	v3 =	vld [tilespmem:s24+$0x13880]  }
0x146: {  	v4 =	vld [tilespmem:s24+$0x13890]  }
.Ltmp2:
0x147: {  	v0 =	vld [tilespmem:s24+$0x138A0];
	(pc) =	sbr.rel @p0 .LBB2_7-.Ltmp2, $4  }
0x148: {  	[tilespmem:s23+$0x70A0] =	vst.add.f32.msk $0xffff, v2;
	s23 =	smov.u32 s24  }
0x149: {  	[tilespmem:s23+$0x70B0] =	vst.add.f32.msk $0xffff, v1  }
0x14a: {  	[tilespmem:s23+$0x7080] =	vst.add.f32.msk $0xffff, v3  }
0x14b: {  	s24 =	sshra.s32 s25, $0x2;
	s25 =	sadd.s32 $0x100, s25;
	[tilespmem:s23+$0x7090] =	vst.add.f32.msk $0xffff, v4  }
0x14c: {  	v1 =	vld [tilespmem:s24+$0x138B0]  }
0x14d: {  	v2 =	vld [tilespmem:s24+$0x13880]  }
0x14e: {  	v3 =	vld [tilespmem:s24+$0x13890]  }
0x14f: {  	v4 =	vld [tilespmem:s24+$0x138A0]  }
0x150: {  	[tilespmem:s23+$0x70A0] =	vst.add.f32.msk $0xffff, v0  }
0x151: {  	[tilespmem:s24+$0x70B0] =	vst.add.f32.msk $0xffff, v1  }
0x152: {  	s22 =	sshll.u32 s22, $0x3;
	s21 =	sadd.s32 $0x1, s21;
	[tilespmem:s24+$0x7080] =	vst.add.f32.msk $0xffff, v2  }
0x153: {  	s22 =	sand.u32 $0x1FFFFF80, s22;
	p0 =	sne.s32 s21, $0x20;
	[tilespmem:s24+$0x7090] =	vst.add.f32.msk $0xffff, v3  }
.Ltmp3:
0x154: {  	s22 =	sadd.s32 s2, s22;
	[tilespmem:s24+$0x70A0] =	vst.add.f32.msk $0xffff, v4;
	(pc) =	sbr.rel @p0 .LBB2_2-.Ltmp3, $4  }
0x155: {  	[hbm4b:s22+s3] =	stream.linear.scatter [tilespmem:s18], [sflag:$0x3], $0x6400, $0x38;
	[tilespmem:$0x19C80] =	vst v63  }
0x156: {  	_ =	swait.ge [sflag:s16], $0x6400  }
0x157: {  	[sflag:s16] =	ssyncset.done $0x0  }
0x158: {  	[sflag:s16] =	ssyncadd.s32 $0xFFFF9C00  }
0x159: {  	s22 =	rddreg [dreg:$0x8]  }
0x15a: {  	s21 =	rddreg [dreg:$0x7];
	s22 =	sadd.s32 $0x1, s22  }
0x15b: {  	p0 =	sne.s32 s22, s21  }
.Ltmp4:
0x15c: {  	_ = 	snop;
	(pc) =	sbr.rel @p0 .LBB2_1-.Ltmp4, $1  }
0x15d: {  	_ =	sdelay $0x3  }
0x15e: {  	_ =	sfence.sel $0x180000  }
0x15f: {  	[bflag:$0x0] =	sbarrier.arrive $0xFFFF  }
0x160: {  	_ =	strace $0x90000047  }
0x161: {  	s0 =	stileid.u32;
	[bflag:$0x2] =	sbarrier.arrive $0xFFFF  }
0x162: {  	p0 =	sne.s32 s0, $0x0;
	s0 =	rddreg [dreg:$0x2]  }
0x163: {  	s0 =	sadd.s32 @!p0 $0x100000, s0  }
0x164: {  	[sflag:s0] =	ssyncadd.tile.s32 @!p0 $0x1;
	_ =	shalt  }
.Lfunc_end2:
_tile_overlayer_lowered:
.L_overlay_start_2:
0x165: {  	(tag) =	ssettag $0x2  }
0x166: {  	s0 =	rddreg [dreg:$0x0];
	s2 =	stileid.u32  }
0x167: {  	s1 =	rddreg [dreg:$0x1];
	p0 =	sne.s32 s2, $0x0  }
0x168: {  	s3 =	rddreg [dreg:$0x2];
	[bflag:$0x3] =	sbarrier.arrive $0xFFFF;
	s2 =	simm.s32 @!p0 $0x1C03  }
0x169: {  	[timem:s3], [sflag:s2] =	dma.local @!p0 [hbm:s0], s1  }
0x16a: {  	s0 =	simm.s32 @!p0 $0x3  }
0x16b: {  	_ =	swait.ge @!p0 [sflag:s0], s1  }
0x16c: {  	s1 =	ssub.s32 @!p0 $0x0, s1;
	[sflag:s0] =	ssyncset.done @!p0 $0x0  }
0x16d: {  	[sflag:s0] =	ssyncadd.s32 @!p0 s1  }
0x16e: {  	[bflag:$0x3] =	sbarrier.arrive $0xFFFF  }
0x16f: {  	_ =	shalt  }

// kernel: sparse-core-data-format-call.cloned.1.call-start
scs
called_computation_lowered:
.L_overlay_start_0:
0x0: {  	s2 =	sld [smem:$0x3FD9]  }
0x1: {  	s3 =	sld [smem:$0x3FFE];
	_ =	sdelay $0x1  }
0x2: {  	s1 =	srdreg.scid  }
0x3: {  	s0 =	sand.u32 $0x1, s1  }
0x4: {  	s18 =	sshll.u32 s0, $0xA;
	s2 =	sadd.s32 s3, s2  }
0x5: {  	s2 =	sadd.s32 s2, s18  }
0x6: {  	[smem:$0x3FC2] =	sst s2  }
0x7: {  	_ = 	snop  }
0x8: {  	s2 =	sld [smem:$0x3FD0];
	(tm) =	ssettm $0x1  }
0x9: {  	s19 =	sld [smem:$0x3FFB];
	_ =	sdelay $0x3  }
0xa: {  	_ =	strace s19  }
0xb: {  	s3 =	sld [smem:$0x3FFC];
	_ =	sdelay $0x3  }
0xc: {  	_ =	strace s3  }
0xd: {  	s3 =	sld [smem:$0x3FFD];
	_ =	sdelay $0x3  }
0xe: {  	_ =	strace s3  }
0xf: {  	_ =	strace $0x8FFFFFFF  }
0x10: {  	s20 =	sld [smem:$0x3FDB];
	_ =	sdelay $0x1  }
0x11: {  	s4 =	simm.s32 $_scs_section_size  }
0x12: {  	s5 =	simm.s32 $_size__tile_overlayer_lowered;
	s6 =	simm.s32 $_tile_overlayer_lowered  }
0x13: {  	s23 =	simm.s32 $0x1BFF;
	s22 =	sshll.u32 s6, $0x1;
	s3 =	sadd.s32 s4, s20  }
0x14: {  	s7 =	simm.s32 $0x0;
	s21 =	sshll.u32 s5, $0x1;
	s5 =	sadd.s32 s22, s3  }
0x15: {  	[timem:s7], [sflag:s23] =	dma.local [hbm:s5], s21  }
0x16: {  	_ =	swait.ge [sflag:s23], s21  }
0x17: {  	s4 =	ssub.s32 $0x0, s21;
	[sflag:s23] =	ssyncset.done $0x0  }
0x18: {  	[sflag:s23] =	ssyncadd.s32 s4;
	_ =	sdelay $0x1  }
0x19: {  	s24 =	simm.s32 $0x1B8B  }
0x1a: {  	_ =	swait.ge [sflag:s24], $0x1  }
0x1b: {  	[sflag:s24] =	ssyncset.done $0x0  }
0x1c: {  	s26 =	simm.s32 $0x1B8E;
	s25 =	sld [smem:$0x3FFE];
	[sflag:s24] =	ssyncadd.s32 $0xFFFFFFFF  }
0x1d: {  	s27 =	simm.s32 $execute0_lowered;
	[smem:$0x3FD2] =	sst s26  }
0x1e: {  	s5 =	sshll.u32 s27, $0x1;
	_ =	strace $0x80000049;
	[dreg:$0x1] =	wrdreg $0xFFFFFFFF  }
0x1f: {  	s28 =	simm.s32 $_size_execute0_lowered;
	s3 =	sadd.s32 s3, s5;
	[dreg:$0x0] =	wrdreg $0x0  }
0x20: {  	s5 =	sshll.u32 s28, $0x1;
	[dreg:$0x2] =	wrdreg s3  }
0x21: {  	[dreg:$0x3] =	wrdreg s5  }
0x22: {  	[dreg:$0x4] =	wrdreg $0xC0  }
0x23: {  	_ =	task [dreg:s7], $0x5FFFF  }
0x24: {  	[dreg:$0x1] =	wrdreg $0xFFFFFFFF  }
0x25: {  	[dreg:$0x0] =	wrdreg $0x60  }
0x26: {  	[dreg:$0x2] =	wrdreg s25  }
0x27: {  	[dreg:$0x3] =	wrdreg s2  }
0x28: {  	[dreg:$0x4] =	wrdreg $0x9  }
0x29: {  	_ =	task.clear_ibuf [dreg:s7], $0x5FFFF;
	_ =	strace $0x90000049  }
0x2a: {  	s29 =	simm.s32 $0x9;
	_ =	strace $0x8000004B  }
0x2b: {  	_ =	swait.ge [sflag:s29], $0x1  }
0x2c: {  	[sflag:s29] =	ssyncadd.s32 $0xFFFFFFFF  }
0x2d: {  	_ =	strace $0x9000004B  }
0x2e: {  	_ =	sfence  }
0x2f: {  	s30 =	sld [smem:$0x0];
	_ =	sdelay $0x2  }
0x30: {  	s31 =	sshll.u32 s1, $0xD;
	s1 =	sshrl.u32 s1, $0x2  }
0x31: {  	s3 =	sand.u32 $0x4000, s31;
	s1 =	sadd.s32 s1, s30  }
0x32: {  	s0 =	sor.u32 s3, s0;
	s1 =	sshll.u32 s1, $0x11  }
0x33: {  	s0 =	sor.u32 s1, s0  }
0x34: {  	s0 =	sadd.s32 $0x8F2B, s0  }
0x35: {  	[sflag:s0] =	ssyncadd.remote.s32 $0x1  }
0x36: {  	_ =	sfence.sel $0xFFFF  }
0x37: {  	[dreg:$0x0] =	wrdreg $0xFFFFFFFF;
	(pc) =	sbr.abs _section_cstart, $3  }
0x38: {  	[dreg:$0x1] =	wrdreg $0xFFFFFFFF  }
0x39: {  	_ =	task.clear_ibuf [dreg:s7], $0x2FFFF;
	_ =	strace $0x9FFFFFFF  }
0x3a: {  	(tm) =	ssettm $0x7FFFFFFF  }
0x3b: {  	_ =	shalt  }
tec
execute0_lowered:
.L_overlay_start_1:
0x0: {  	(tag) =	ssettag $0x1  }
0x1: {  	s0 =	srdreg.scid  }
0x2: {  	s1 =	sshll.u32 s0, $0x4  }
0x3: {  	s0 =	stileid.u32;
	s1 =	sand.u32 $0x10, s1  }
0x4: {  	s1 =	sor.u32 s0, s1  }
0x5: {  	s6 =	rddreg [dreg:$0x0];
	s4 =	simm.s32 $0x1;
	s2 =	sshll.u32 s1, $0x7  }
0x6: {  	s7 =	simm.s32 $0x2;
	s12 =	simm.s32 $0x0;
	s1 =	ssub.s32 $0x1000, s2  }
0x7: {  	s8 =	simm.s32 $0x8000;
	s13 =	simm.s32 $0x0;
	s3 =	sand.u32 $0xF80, s1  }
0x8: {  	s9 =	simm.s32 $0x0;
	s5 =	sshrl.u32 s1, $0xC;
	p0 =	sne.s32 s3, $0x0  }
.Ltmp0:
0x9: {  	s1 =	rddreg [dreg:$0x2];
	s4 =	simm.s32 @!p0 $0x0;
	(pc) =	sbr.rel .LBB1_1-.Ltmp0, $4  }
0xa: {  	s11 =	simm.s32 $0x0;
	s3 =	rddreg [dreg:$0x1];
	s5 =	sadd.s32 s4, s5  }
0xb: {  	_ =	strace $0x8000004A;
	s4 =	simm.s32 $0x1;
	s5 =	smul.u32 $0xC8, s5  }
0xc: {  	s6 =	sadd.s32 $0xE00, s6;
	s10 =	smov.u32 s2;
	[sflag:s4] =	ssyncpa.u1 $0x0  }
0xd: {  	p0 =	por $0x0, $0x0;
	[sflag:s7] =	ssyncpa.u1 $0x0;
	s7 =	sor.u32 $0x1, s5  }
.LBB1_4:
0xe: {  	s16 =	sshll.u32 s13, $0x3;
	s17 =	sand.u32 $0x78, s13  }
0xf: {  	s30 =	sand.u32 $0x7E00, s13;
	s12 =	sshll.u32 s12, $0xF;
	s16 =	sand.u32 $0xC00, s16  }
0x10: {  	[tilespmem:s15+$0x810 ss:$0x81] =	vst.msk $0xffff, v2;
	s31 =	sand.u32 $0x7, s13;
	s16 =	sor.u32 s17, s16;
	s17 =	sadd.s32 s3, s30  }
0x11: {  	[tilespmem:s15+$0x1020 ss:$0x81] =	vst.msk $0xffff, v0;
	s13 =	sshll.u32 s31, $0x12;
	s12 =	sadd.s32 s12, s17;
	s16 =	sshrl.u32 s16, $0x3  }
0x12: {  	[tilespmem:s15+$0x0 ss:$0x81] =	vst.msk $0xffff, v1;
	s13 =	sor.u32 $0x400, s13;
	s12 =	sadd.s32 s16, s12  }
0x13: {  	[hbm4b:s12+s13] =	stream.strided.scatter [tilespmem:s14], [sflag:$0x2], $0x2000, s8, s13, $0x20;
	[tilespmem:$0x8080] =	vst v63  }
.LBB1_5:
0x14: {  	s14 =	sadd.s32 $0x1, s9  }
0x15: {  	s12 =	sadd.s32 $0x1000, s10;
	s16 =	smov.u32 s10;
	p2 =	sgt.s32 s14, $0xC7  }
0x16: {  	s16 =	smov.u32 @p2 s12  }
0x17: {  	s14 =	simm.s32 @p2 $0x0;
	p2 =	sgt.s32 s16, $0xFFF  }
0x18: {  	s16 =	smov.u32 @p2 s2;
	p2 =	sne.s32 s11, s7  }
.Ltmp1:
0x19: {  	p1 =	slt.u32 s11, $0x2;
	(pc) =	sbr.rel @!p2 .LBB1_6-.Ltmp1, $4  }
0x1a: {  	s15 =	simm.s32 @!p1 $0x2  }
0x1b: {  	s13 =	smov.u32 s10;
	p0 =	por !p0, !p0;
	_ =	swait.ge @!p1 [sflag:s15], $0x2000  }
0x1c: {  	s12 =	smov.u32 s9;
	[sflag:s15] =	ssyncset.done @!p1 $0x0;
	s9 =	smov.u32 s14  }
0x1d: {  	s11 =	sadd.s32 $0x1, s11;
	[sflag:s15] =	ssyncadd.s32 @!p1 $0xFFFFE000;
	s10 =	smov.u32 s16  }
.LBB1_1:
0x1e: {  	p1 =	sge.u32 s11, s5  }
0x1f: {  	s14 =	sand.u32 @!p1 $0x1FFFFFF, s9  }
0x20: {  	s15 =	smulhi.u32 @!p1 $0x147AE15, s14;
	_ =	sdelay $0x1  }
0x21: {  	s15 =	smul.u32 @!p1 $0xC8, s15  }
0x22: {  	s16 =	sxor.u32 @!p1 $0xFFFFFFFF, s11;
	s17 =	smul.u32 @!p1 $0xC80, s10  }
0x23: {  	s31 =	sadd.s32 $0xFFFFFFFF, s11;
	s16 =	sshll.u32 @!p1 s16, $0xD;
	s14 =	ssub.s32 @!p1 s14, s15  }
0x24: {  	s15 =	sand.u32 @!p1 $0x2000, s16;
	s16 =	sadd.s32 @!p1 s6, s17;
	s14 =	sshll.u32 @!p1 s14, $0x4  }
0x25: {  	s17 =	simm.s32 @!p1 $0x6400;
	s14 =	sadd.s32 @!p1 s14, s16;
	s16 =	simm.s32 @!p1 $0x40  }
0x26: {  	[tilespmem:s15], [sflag:$0x1] =	stream.strided.gather @!p1 [hbm4b:s14+s16], $0x2000, s17, s16, $0x38;
	[tilespmem:$0x8080] =	vst v63  }
0x27: {  	p1 =	sge.u32 s31, s5  }
.Ltmp2:
0x28: {  	_ = 	snop;
	(pc) =	sbr.rel @p1 .LBB1_5-.Ltmp2, $1  }
0x29: {  	_ =	sdelay $0x3  }
0x2a: {  	s14 =	simm.s32 $0x1  }
0x2b: {  	_ =	swait.ge [sflag:s4], $0x2000;
	s14 =	simm.s32 @!p0 $0x0  }
0x2c: {  	[sflag:s4] =	ssyncset.done $0x0;
	s15 =	sshll.u32 s14, $0xD  }
0x2d: {  	[sflag:s4] =	ssyncadd.s32 $0xFFFFE000;
	s18 =	sor.u32 $0x20, s15  }
0x2e: {  	s14 =	smul.u32 $0x8100, s14;
	v3 =	vld [tilespmem:s18+$0x10]  }
0x2f: {  	s30 =	sand.u32 $0x1, s11;
	v2 =	vld [tilespmem:s18+$0xFFFFFFF0]  }
0x30: {  	s15 =	smul.u32 $0x8100, s30;
	s14 =	sshrl.u32 s14, $0x2;
	v0 =	vld [tilespmem:s18+$0x0]  }
0x31: {  	v1 =	vld [tilespmem:s18+$0xFFFFFFE0];
	s16 =	sor.u32 $0x4000, s14  }
0x32: {  	s31 =	sshrl.u32 s15, $0x2;
	s15 =	sadd.s32 $0x0, s16  }
0x33: {  	s17 =	simm.s32 $0x4;
	s18 =	sadd.s32 $0x40, s18;
	s14 =	sor.u32 $0x4000, s31;
	[tilespmem:s15+$0x1830 ss:$0x81] =	vst.msk $0xffff, v3  }
.LBB1_3:
0x34: {  	v3 =	vld [tilespmem:s18+$0x10];
	p1 =	sne.s32 s17, $0x1FC;
	[tilespmem:s15+$0x810 ss:$0x81] =	vst.msk $0xffff, v2;
	s19 =	smov.u32 s17;
	s17 =	sadd.s32 $0x4, s17  }
.Ltmp3:
0x35: {  	v2 =	vld [tilespmem:s18+$0xFFFFFFF0];
	[tilespmem:s15+$0x1020 ss:$0x81] =	vst.msk $0xffff, v0;
	(pc) =	sbr.rel @p1 .LBB1_3-.Ltmp3, $4  }
0x36: {  	v0 =	vld [tilespmem:s18+$0x0];
	[tilespmem:s15+$0x0 ss:$0x81] =	vst.msk $0xffff, v1  }
0x37: {  	s15 =	sshra.s32 s19, $0x2;
	v1 =	vld [tilespmem:s18+$0xFFFFFFE0]  }
0x38: {  	s15 =	sadd.s32 s15, s16  }
0x39: {  	s18 =	sadd.s32 $0x40, s18;
	[tilespmem:s15+$0x1830 ss:$0x81] =	vst.msk $0xffff, v3  }
.Ltmp4:
0x3a: {  	_ = 	snop;
	(pc) =	sbr.rel .LBB1_4-.Ltmp4, $1  }
0x3b: {  	_ =	sdelay $0x3  }
.LBB1_6:
0x3c: {  	_ =	sfence.sel $0x180000  }
0x3d: {  	s2 =	simm.s32 $0x1;
	[bflag:$0x0] =	sbarrier.arrive $0xFFFF  }
0x3e: {  	s31 =	simm.s32 $0x2;
	[sflag:s2] =	ssyncpa.u1 $0x1  }
0x3f: {  	[sflag:s31] =	ssyncpa.u1 $0x1  }
0x40: {  	p0 =	sne.s32 s0, $0x0;
	_ =	strace $0x9000004A  }
0x41: {  	s0 =	sadd.s32 @!p0 $0x100000, s1;
	[bflag:$0x2] =	sbarrier.arrive $0xFFFF  }
0x42: {  	[sflag:s0] =	ssyncadd.tile.s32 @!p0 $0x1;
	_ =	shalt  }
.Lfunc_end1:
_tile_overlayer_lowered:
.L_overlay_start_2:
0x43: {  	(tag) =	ssettag $0x2  }
0x44: {  	s0 =	rddreg [dreg:$0x0];
	s2 =	stileid.u32  }
0x45: {  	s1 =	rddreg [dreg:$0x1];
	p0 =	sne.s32 s2, $0x0  }
0x46: {  	s3 =	rddreg [dreg:$0x2];
	[bflag:$0x3] =	sbarrier.arrive $0xFFFF;
	s2 =	simm.s32 @!p0 $0x1C01  }
0x47: {  	[timem:s3], [sflag:s2] =	dma.local @!p0 [hbm:s0], s1  }
0x48: {  	s0 =	simm.s32 @!p0 $0x1  }
0x49: {  	_ =	swait.ge @!p0 [sflag:s0], s1  }
0x4a: {  	s1 =	ssub.s32 @!p0 $0x0, s1;
	[sflag:s0] =	ssyncset.done @!p0 $0x0  }
0x4b: {  	[sflag:s0] =	ssyncadd.s32 @!p0 s1  }
0x4c: {  	[bflag:$0x3] =	sbarrier.arrive $0xFFFF  }
0x4d: {  	_ =	shalt  }

</sc_bundles>
